<compile_context>
chip_gen: v7x
topology: tpu7x:2x2x1
jax: 0.10.2.dev20260603
libtpu: 0.0.44.dev20260713+nightly
codegen_flags: <defaults>
</compile_context>

<pallas_src>
import functools
import jax
import jax.numpy as jnp
from jax import lax
from jax.experimental import pallas as pl
from jax.experimental.pallas import tpu as pltpu, tpu_sc as plsc

B_ROWS = 131072
F = 128
NVREG = F // 16

_info = plsc.get_sparse_core_info()
NC, NS, L = _info.num_cores, _info.num_subcores, _info.num_lanes
NW = NC * NS
RW = B_ROWS // NW
BR = 128
NBLK = RW // BR


_GDN = lax.GatherDimensionNumbers(
    offset_dims=(), collapsed_slice_dims=(0,), start_index_map=(0,)
)


def _shuffle(v, idx):
    return lax.gather(
        v,
        idx[:, None],
        dimension_numbers=_GDN,
        slice_sizes=(1,),
        mode=lax.GatherScatterMode.PROMISE_IN_BOUNDS,
    )


def _vreduce(v, lane):
    for k in (1, 2, 4, 8):
        v = v + _shuffle(v, lane ^ k)
    return v


def _sc_body(x_hbm, wb_hbm, out_hbm, wv, inb, outb, si0, si1, so0, so1):
    c = lax.axis_index("c")
    s = lax.axis_index("s")
    wid = s * NC + c
    base = wid * RW
    sins = (si0, si1)
    souts = (so0, so1)

    pltpu.sync_copy(wb_hbm, wv)
    wregs = [wv[pl.ds(16 * j, 16)] for j in range(NVREG)]
    lane = lax.iota(jnp.int32, 16)
    lane15 = lane == 15
    b_all = _vreduce(wv[pl.ds(F, 16)], lane)

    def in_copy(i, buf):
        return pltpu.make_async_copy(
            x_hbm.at[pl.ds(base + i * BR, BR)], inb.at[buf], sins[buf]
        )

    def out_copy(i, buf):
        return pltpu.make_async_copy(
            outb.at[buf], out_hbm.at[pl.ds(base + i * BR, BR)], souts[buf]
        )

    def compute(buf):
        ib = inb.at[buf]
        ob = outb.at[buf]

        def row_body(r, carry):
            prods = []
            z_last = None
            m_last = None
            v_last = None
            for j in range(NVREG):
                v = ib[r, pl.ds(16 * j, 16)]
                m = v != v
                z = jnp.where(m, 0.0, v)
                prods.append(z * wregs[j])
                if j < NVREG - 1:
                    ob[r, pl.ds(16 * j, 16)] = z
                else:
                    z_last, m_last, v_last = z, m, v
            while len(prods) > 1:
                prods = [
                    prods[k] + prods[k + 1] for k in range(0, len(prods) - 1, 2)
                ] + ([prods[-1]] if len(prods) % 2 else [])
            pred_v = _vreduce(prods[0], lane) + b_all
            out7 = jnp.where(lane15, jnp.where(m_last, pred_v, v_last), z_last)
            ob[r, pl.ds(F - 16, 16)] = out7
            return carry

        lax.fori_loop(0, BR, row_body, 0, unroll=False)

    in_copy(0, 0).start()
    in_copy(1, 1).start()

    def g_body(g, carry):
        for buf in range(2):
            i = 2 * g + buf
            in_copy(i, buf).wait()

            @pl.when(g >= 1)
            def _():
                out_copy(i - 2, buf).wait()

            compute(buf)
            out_copy(i, buf).start()

            @pl.when(g < NBLK // 2 - 1)
            def _():
                in_copy(i + 2, buf).start()

        return carry

    lax.fori_loop(0, NBLK // 2, g_body, 0, unroll=False)
    out_copy(NBLK - 2, 0).wait()
    out_copy(NBLK - 1, 1).wait()


@jax.jit
def _run(x, wb):
    mesh = plsc.VectorSubcoreMesh(core_axis_name="c", subcore_axis_name="s")
    f = functools.partial(
        pl.kernel,
        out_type=jax.ShapeDtypeStruct((B_ROWS, F), jnp.float32),
        mesh=mesh,
        scratch_types=[
            pltpu.VMEM((F + 16,), jnp.float32),
            pltpu.VMEM((2, BR, F), jnp.float32),
            pltpu.VMEM((2, BR, F), jnp.float32),
            pltpu.SemaphoreType.DMA,
            pltpu.SemaphoreType.DMA,
            pltpu.SemaphoreType.DMA,
            pltpu.SemaphoreType.DMA,
        ],
    )(_sc_body)
    return f(x, wb)


def kernel(x, W, b):
    wb = jnp.concatenate(
        [W, jnp.broadcast_to(b, (1,)), jnp.zeros((15,), jnp.float32)]
    )
    return _run(x, wb)

# --- scband reference (transcript-rebuilt; emitter-appended) ---
"""Pipeline reference for scband-not-serial-predictor-1108101563220 (READ-ONLY COPY).

The authoritative reference and input builder live on the scoring server;
editing this copy changes nothing except your own understanding.
"""

import jax, jax.numpy as jnp
import numpy as np

B, F = 131072, 128

def setup_inputs(seed: int = 0) -> dict:
    key = jax.random.key(seed)
    k1, k2, k3, k4 = jax.random.split(key, 4)
    x = jax.random.normal(k1, (B, F), dtype=jnp.float32)
    # inject NaNs into the last column (the values the predictor must fill in)
    nan_mask_last = jax.random.bernoulli(k2, 0.3, (B,))
    x = x.at[:, -1].set(jnp.where(nan_mask_last, jnp.nan, x[:, -1]))
    # sprinkle a few NaNs into feature columns (they get zero-filled by the module)
    feat_mask = jax.random.bernoulli(k3, 0.01, (B, F - 1))
    x = x.at[:, :-1].set(jnp.where(feat_mask, jnp.nan, x[:, :-1]))
    # predictor parameters: linear head mapping F features -> scalar prediction
    W = jax.random.normal(k4, (F,), dtype=jnp.float32) * 0.05
    b = jnp.zeros((), dtype=jnp.float32)
    return {"x": x, "W": W, "b": b}


def reference(x, W, b):
    # input_pred = x with NaNs zero-filled  (x[index]=0 where index = x != x)
    input_pred = jnp.where(jnp.isnan(x), 0.0, x)
    # pred = forward_predictor(input_pred)  -> shape [B]
    pred = input_pred @ W + b
    # x[:, :-1] = input_pred[:, :-1]  (NaN-free feature columns)
    # x[isnan(x)] = pred[isnan(x[:, -1])]  (only last-column NaNs remain)
    mask_last = jnp.isnan(x[:, -1])
    last = jnp.where(mask_last, pred, x[:, -1])
    out = jnp.concatenate([input_pred[:, :-1], last[:, None]], axis=1)
    return out

if __name__ == "__main__":
    import jax
    _d = setup_inputs()
    print(jax.jit(kernel)(*tuple(_d.values())))

</pallas_src>

<mosaic_0001>
#map = affine_map<(d0, d1) -> (0, 0)>
#map1 = affine_map<(d0, d1) -> (0)>
module attributes {stable_mosaic.version = 14 : i64} {
  func.func @_sc_body(%arg0: i32, %arg1: i32, %arg2: memref<131072x128xf32, #tpu.memory_space<hbm>>, %arg3: memref<144xf32, #tpu.memory_space<hbm>>, %arg4: memref<131072x128xf32, #tpu.memory_space<hbm>>, %arg5: memref<144xf32, #tpu.memory_space<vmem>>, %arg6: memref<2x128x128xf32, #tpu.memory_space<vmem>>, %arg7: memref<2x128x128xf32, #tpu.memory_space<vmem>>, %arg8: memref<!tpu.dma_semaphore, #tpu.memory_space<semaphore_mem>>, %arg9: memref<!tpu.dma_semaphore, #tpu.memory_space<semaphore_mem>>, %arg10: memref<!tpu.dma_semaphore, #tpu.memory_space<semaphore_mem>>, %arg11: memref<!tpu.dma_semaphore, #tpu.memory_space<semaphore_mem>>) attributes {dimension_semantics = [#tpu.dimension_semantics<core_parallel>, #tpu.dimension_semantics<subcore_parallel>], iteration_bounds = array<i64: 2, 16>, scalar_prefetch = 0 : i64, scratch_operands = 7 : i64, tpu.core_type = #tpu.core_type<sc_vector_subcore>, window_params = [{transform_indices = #map}, {transform_indices = #map1}, {transform_indices = #map}]} {
    %mul3A = arith.constant 2 : i32
    %mul3A_0 = arith.muli %arg1, %mul3A : i32
    %add3A = arith.addi %mul3A_0, %arg0 : i32
    %mul3A_1 = arith.constant 4096 : i32
    %mul3A_2 = arith.muli %add3A, %mul3A_1 : i32
    "tpu.region"() ({
      %run_scoped3A = tpu.sem_alloc : memref<!tpu.dma_semaphore, #tpu.memory_space<semaphore_mem>>
      tpu.enqueue_dma source(%arg3 : memref<144xf32, #tpu.memory_space<hbm>>) target(%arg5 : memref<144xf32, #tpu.memory_space<vmem>>) target_semaphore(%run_scoped3A : memref<!tpu.dma_semaphore, #tpu.memory_space<semaphore_mem>>)
      tpu.wait_dma2 semaphore(%run_scoped3A : memref<!tpu.dma_semaphore, #tpu.memory_space<semaphore_mem>>) src(%arg3 : memref<144xf32, #tpu.memory_space<hbm>>) dst(%arg5 : memref<144xf32, #tpu.memory_space<vmem>>)
      tpu.yield
    }) : () -> ()
    %get3A = arith.constant 0 : index
    %get3A_3 = tpu.vector_load %arg5[%get3A] {strides = array<i32>} : memref<144xf32, #tpu.memory_space<vmem>>, vector<16xf32>,
    %get3A_4 = vector.shape_cast %get3A_3 : vector<16xf32> to vector<16xf32>
    %get3A_5 = arith.constant 16 : index
    %get3A_6 = tpu.vector_load %arg5[%get3A_5] {strides = array<i32>} : memref<144xf32, #tpu.memory_space<vmem>>, vector<16xf32>,
    %get3A_7 = vector.shape_cast %get3A_6 : vector<16xf32> to vector<16xf32>
    %get3A_8 = arith.constant 32 : index
    %get3A_9 = tpu.vector_load %arg5[%get3A_8] {strides = array<i32>} : memref<144xf32, #tpu.memory_space<vmem>>, vector<16xf32>,
    %get3A_10 = vector.shape_cast %get3A_9 : vector<16xf32> to vector<16xf32>
    %get3A_11 = arith.constant 48 : index
    %get3A_12 = tpu.vector_load %arg5[%get3A_11] {strides = array<i32>} : memref<144xf32, #tpu.memory_space<vmem>>, vector<16xf32>,
    %get3A_13 = vector.shape_cast %get3A_12 : vector<16xf32> to vector<16xf32>
    %get3A_14 = arith.constant 64 : index
    %get3A_15 = tpu.vector_load %arg5[%get3A_14] {strides = array<i32>} : memref<144xf32, #tpu.memory_space<vmem>>, vector<16xf32>,
    %get3A_16 = vector.shape_cast %get3A_15 : vector<16xf32> to vector<16xf32>
    %get3A_17 = arith.constant 80 : index
    %get3A_18 = tpu.vector_load %arg5[%get3A_17] {strides = array<i32>} : memref<144xf32, #tpu.memory_space<vmem>>, vector<16xf32>,
    %get3A_19 = vector.shape_cast %get3A_18 : vector<16xf32> to vector<16xf32>
    %get3A_20 = arith.constant 96 : index
    %get3A_21 = tpu.vector_load %arg5[%get3A_20] {strides = array<i32>} : memref<144xf32, #tpu.memory_space<vmem>>, vector<16xf32>,
    %get3A_22 = vector.shape_cast %get3A_21 : vector<16xf32> to vector<16xf32>
    %get3A_23 = arith.constant 112 : index
    %get3A_24 = tpu.vector_load %arg5[%get3A_23] {strides = array<i32>} : memref<144xf32, #tpu.memory_space<vmem>>, vector<16xf32>,
    %get3A_25 = vector.shape_cast %get3A_24 : vector<16xf32> to vector<16xf32>
    %iota3A = tpu.iota {dimensions = array<i32: 0>} : vector<16xi32>
    %eq3A = arith.constant 15 : i32
    %eq3A_26 = vector.broadcast %eq3A : i32 to vector<16xi32>
    %eq3A_27 = arith.cmpi eq, %iota3A, %eq3A_26 : vector<16xi32>
    %get3A_28 = arith.constant 128 : index
    %get3A_29 = tpu.vector_load %arg5[%get3A_28] {strides = array<i32>} : memref<144xf32, #tpu.memory_space<vmem>>, vector<16xf32>,
    %get3A_30 = vector.shape_cast %get3A_29 : vector<16xf32> to vector<16xf32>
    %xor3A = arith.constant 1 : i32
    %xor3A_31 = vector.broadcast %xor3A : i32 to vector<16xi32>
    %xor3A_32 = arith.xori %iota3A, %xor3A_31 : vector<16xi32>
    %broadcast_in_dim3A = vector.shape_cast %xor3A_32 : vector<16xi32> to vector<16x1xi32>
    %gather3A = vector.shape_cast %broadcast_in_dim3A : vector<16x1xi32> to vector<16xi32>
    %gather3A_33 = tpu.dynamic_gather %get3A_30[%gather3A] in [0] : vector<16xf32>, vector<16xi32> -> vector<16xf32>
    %add3A_34 = arith.addf %get3A_30, %gather3A_33 : vector<16xf32>
    %xor3A_35 = arith.constant 2 : i32
    %xor3A_36 = vector.broadcast %xor3A_35 : i32 to vector<16xi32>
    %xor3A_37 = arith.xori %iota3A, %xor3A_36 : vector<16xi32>
    %broadcast_in_dim3A_38 = vector.shape_cast %xor3A_37 : vector<16xi32> to vector<16x1xi32>
    %gather3A_39 = vector.shape_cast %broadcast_in_dim3A_38 : vector<16x1xi32> to vector<16xi32>
    %gather3A_40 = tpu.dynamic_gather %add3A_34[%gather3A_39] in [0] : vector<16xf32>, vector<16xi32> -> vector<16xf32>
    %add3A_41 = arith.addf %add3A_34, %gather3A_40 : vector<16xf32>
    %xor3A_42 = arith.constant 4 : i32
    %xor3A_43 = vector.broadcast %xor3A_42 : i32 to vector<16xi32>
    %xor3A_44 = arith.xori %iota3A, %xor3A_43 : vector<16xi32>
    %broadcast_in_dim3A_45 = vector.shape_cast %xor3A_44 : vector<16xi32> to vector<16x1xi32>
    %gather3A_46 = vector.shape_cast %broadcast_in_dim3A_45 : vector<16x1xi32> to vector<16xi32>
    %gather3A_47 = tpu.dynamic_gather %add3A_41[%gather3A_46] in [0] : vector<16xf32>, vector<16xi32> -> vector<16xf32>
    %add3A_48 = arith.addf %add3A_41, %gather3A_47 : vector<16xf32>
    %xor3A_49 = arith.constant 8 : i32
    %xor3A_50 = vector.broadcast %xor3A_49 : i32 to vector<16xi32>
    %xor3A_51 = arith.xori %iota3A, %xor3A_50 : vector<16xi32>
    %broadcast_in_dim3A_52 = vector.shape_cast %xor3A_51 : vector<16xi32> to vector<16x1xi32>
    %gather3A_53 = vector.shape_cast %broadcast_in_dim3A_52 : vector<16x1xi32> to vector<16xi32>
    %gather3A_54 = tpu.dynamic_gather %add3A_48[%gather3A_53] in [0] : vector<16xf32>, vector<16xi32> -> vector<16xf32>
    %add3A_55 = arith.addf %add3A_48, %gather3A_54 : vector<16xf32>
    %add3A_56 = arith.constant 0 : i32
    %add3A_57 = arith.addi %mul3A_2, %add3A_56 : i32
    %dma_start3A = arith.constant 0 : i32
    %dma_start3A_58 = arith.constant 0 : i32
    %dma_start3A_59 = arith.constant 0 : i32
    %dma_start3A_60 = tpu.memref_slice %arg6[%dma_start3A, %dma_start3A_58, %dma_start3A_59] : memref<2x128x128xf32, #tpu.memory_space<vmem>> -> memref<1x128x128xf32, #tpu.memory_space<vmem>>
    %dma_start3A_61 = tpu.memref_squeeze %dma_start3A_60 : memref<1x128x128xf32, #tpu.memory_space<vmem>> -> memref<128x128xf32, #tpu.memory_space<vmem>>
    %dma_start3A_62 = arith.constant 0 : i32
    %dma_start3A_63 = tpu.memref_slice %arg2[%add3A_57, %dma_start3A_62] : memref<131072x128xf32, #tpu.memory_space<hbm>> -> memref<128x128xf32, #tpu.memory_space<hbm>>
    %dma_start3A_64 = arith.constant 0 : i32
    %dma_start3A_65 = arith.constant 0 : i32
    %dma_start3A_66 = tpu.memref_slice %arg6[%dma_start3A, %dma_start3A_64, %dma_start3A_65] : memref<2x128x128xf32, #tpu.memory_space<vmem>> -> memref<1x128x128xf32, #tpu.memory_space<vmem>>
    %dma_start3A_67 = tpu.memref_squeeze %dma_start3A_66 : memref<1x128x128xf32, #tpu.memory_space<vmem>> -> memref<128x128xf32, #tpu.memory_space<vmem>>
    %dma_start3A_68 = arith.constant 0 : i32
    %dma_start3A_69 = tpu.memref_slice %arg2[%add3A_57, %dma_start3A_68] : memref<131072x128xf32, #tpu.memory_space<hbm>> -> memref<128x128xf32, #tpu.memory_space<hbm>>
    tpu.enqueue_dma source(%dma_start3A_69 : memref<128x128xf32, #tpu.memory_space<hbm>>) target(%dma_start3A_67 : memref<128x128xf32, #tpu.memory_space<vmem>>) target_semaphore(%arg8 : memref<!tpu.dma_semaphore, #tpu.memory_space<semaphore_mem>>)
    %add3A_70 = arith.constant 128 : i32
    %add3A_71 = arith.addi %mul3A_2, %add3A_70 : i32
    %dma_start3A_72 = arith.constant 1 : i32
    %dma_start3A_73 = arith.constant 0 : i32
    %dma_start3A_74 = arith.constant 0 : i32
    %dma_start3A_75 = tpu.memref_slice %arg6[%dma_start3A_72, %dma_start3A_73, %dma_start3A_74] : memref<2x128x128xf32, #tpu.memory_space<vmem>> -> memref<1x128x128xf32, #tpu.memory_space<vmem>>
    %dma_start3A_76 = tpu.memref_squeeze %dma_start3A_75 : memref<1x128x128xf32, #tpu.memory_space<vmem>> -> memref<128x128xf32, #tpu.memory_space<vmem>>
    %dma_start3A_77 = arith.constant 0 : i32
    %dma_start3A_78 = tpu.memref_slice %arg2[%add3A_71, %dma_start3A_77] : memref<131072x128xf32, #tpu.memory_space<hbm>> -> memref<128x128xf32, #tpu.memory_space<hbm>>
    %dma_start3A_79 = arith.constant 0 : i32
    %dma_start3A_80 = arith.constant 0 : i32
    %dma_start3A_81 = tpu.memref_slice %arg6[%dma_start3A_72, %dma_start3A_79, %dma_start3A_80] : memref<2x128x128xf32, #tpu.memory_space<vmem>> -> memref<1x128x128xf32, #tpu.memory_space<vmem>>
    %dma_start3A_82 = tpu.memref_squeeze %dma_start3A_81 : memref<1x128x128xf32, #tpu.memory_space<vmem>> -> memref<128x128xf32, #tpu.memory_space<vmem>>
    %dma_start3A_83 = arith.constant 0 : i32
    %dma_start3A_84 = tpu.memref_slice %arg2[%add3A_71, %dma_start3A_83] : memref<131072x128xf32, #tpu.memory_space<hbm>> -> memref<128x128xf32, #tpu.memory_space<hbm>>
    tpu.enqueue_dma source(%dma_start3A_84 : memref<128x128xf32, #tpu.memory_space<hbm>>) target(%dma_start3A_82 : memref<128x128xf32, #tpu.memory_space<vmem>>) target_semaphore(%arg9 : memref<!tpu.dma_semaphore, #tpu.memory_space<semaphore_mem>>)
    %scan3A = arith.constant 0 : i32
    %scan3A_85 = arith.constant 0 : i32
    %scan3A_86 = arith.constant 16 : i32
    %scan3A_87 = arith.addi %scan3A_85, %scan3A_86 : i32
    %scan3A_88 = arith.constant 1 : i32
    scf.for %scan3A_119 = %scan3A_85 to %scan3A_87 step %scan3A_88  : i32 {
      %mul3A_120 = arith.constant 2 : i32
      %mul3A_121 = arith.muli %mul3A_120, %scan3A_119 : i32
      %add3A_122 = arith.constant 0 : i32
      %add3A_123 = arith.addi %mul3A_121, %add3A_122 : i32
      %mul3A_124 = arith.constant 128 : i32
      %mul3A_125 = arith.muli %add3A_123, %mul3A_124 : i32
      %add3A_126 = arith.addi %mul3A_2, %mul3A_125 : i32
      %dma_wait3A_127 = arith.constant 0 : i32
      %dma_wait3A_128 = arith.constant 0 : i32
      %dma_wait3A_129 = arith.constant 0 : i32
      %dma_wait3A_130 = tpu.memref_slice %arg6[%dma_wait3A_127, %dma_wait3A_128, %dma_wait3A_129] : memref<2x128x128xf32, #tpu.memory_space<vmem>> -> memref<1x128x128xf32, #tpu.memory_space<vmem>>
      %dma_wait3A_131 = tpu.memref_squeeze %dma_wait3A_130 : memref<1x128x128xf32, #tpu.memory_space<vmem>> -> memref<128x128xf32, #tpu.memory_space<vmem>>
      %dma_wait3A_132 = arith.constant 0 : i32
      %dma_wait3A_133 = tpu.memref_slice %arg2[%add3A_126, %dma_wait3A_132] : memref<131072x128xf32, #tpu.memory_space<hbm>> -> memref<128x128xf32, #tpu.memory_space<hbm>>
      %dma_wait3A_134 = arith.constant 0 : i32
      %dma_wait3A_135 = arith.constant 0 : i32
      %dma_wait3A_136 = tpu.memref_slice %arg6[%dma_wait3A_127, %dma_wait3A_134, %dma_wait3A_135] : memref<2x128x128xf32, #tpu.memory_space<vmem>> -> memref<1x128x128xf32, #tpu.memory_space<vmem>>
      %dma_wait3A_137 = tpu.memref_squeeze %dma_wait3A_136 : memref<1x128x128xf32, #tpu.memory_space<vmem>> -> memref<128x128xf32, #tpu.memory_space<vmem>>
      %dma_wait3A_138 = arith.constant 0 : i32
      %dma_wait3A_139 = tpu.memref_slice %arg2[%add3A_126, %dma_wait3A_138] : memref<131072x128xf32, #tpu.memory_space<hbm>> -> memref<128x128xf32, #tpu.memory_space<hbm>>
      tpu.wait_dma2 semaphore(%arg8 : memref<!tpu.dma_semaphore, #tpu.memory_space<semaphore_mem>>) src(%dma_wait3A_139 : memref<128x128xf32, #tpu.memory_space<hbm>>) dst(%dma_wait3A_137 : memref<128x128xf32, #tpu.memory_space<vmem>>)
      %ge3A = arith.constant 1 : i32
      %ge3A_140 = arith.cmpi sge, %scan3A_119, %ge3A : i32
      %convert_element_type3A = arith.extui %ge3A_140 : i1 to i32
      %cond3A = arith.constant 0 : i32
      %cond3A_141 = arith.cmpi ne, %convert_element_type3A, %cond3A : i32
      scf.if %cond3A_141 {
        %sub3A = arith.constant 2 : i32
        %sub3A_224 = arith.subi %add3A_123, %sub3A : i32
        %mul3A_225 = arith.constant 128 : i32
        %mul3A_226 = arith.muli %sub3A_224, %mul3A_225 : i32
        %add3A_227 = arith.addi %mul3A_2, %mul3A_226 : i32
        %dma_wait3A_228 = arith.constant 0 : i32
        %dma_wait3A_229 = arith.constant 0 : i32
        %dma_wait3A_230 = arith.constant 0 : i32
        %dma_wait3A_231 = tpu.memref_slice %arg7[%dma_wait3A_228, %dma_wait3A_229, %dma_wait3A_230] : memref<2x128x128xf32, #tpu.memory_space<vmem>> -> memref<1x128x128xf32, #tpu.memory_space<vmem>>
        %dma_wait3A_232 = tpu.memref_squeeze %dma_wait3A_231 : memref<1x128x128xf32, #tpu.memory_space<vmem>> -> memref<128x128xf32, #tpu.memory_space<vmem>>
        %dma_wait3A_233 = arith.constant 0 : i32
        %dma_wait3A_234 = tpu.memref_slice %arg4[%add3A_227, %dma_wait3A_233] : memref<131072x128xf32, #tpu.memory_space<hbm>> -> memref<128x128xf32, #tpu.memory_space<hbm>>
        %dma_wait3A_235 = arith.constant 0 : i32
        %dma_wait3A_236 = tpu.memref_slice %arg4[%add3A_227, %dma_wait3A_235] : memref<131072x128xf32, #tpu.memory_space<hbm>> -> memref<128x128xf32, #tpu.memory_space<hbm>>
        %dma_wait3A_237 = arith.constant 0 : i32
        %dma_wait3A_238 = arith.constant 0 : i32
        %dma_wait3A_239 = tpu.memref_slice %arg7[%dma_wait3A_228, %dma_wait3A_237, %dma_wait3A_238] : memref<2x128x128xf32, #tpu.memory_space<vmem>> -> memref<1x128x128xf32, #tpu.memory_space<vmem>>
        %dma_wait3A_240 = tpu.memref_squeeze %dma_wait3A_239 : memref<1x128x128xf32, #tpu.memory_space<vmem>> -> memref<128x128xf32, #tpu.memory_space<vmem>>
        tpu.wait_dma2 semaphore(%arg10 : memref<!tpu.dma_semaphore, #tpu.memory_space<semaphore_mem>>) src(%dma_wait3A_240 : memref<128x128xf32, #tpu.memory_space<vmem>>) dst(%dma_wait3A_236 : memref<128x128xf32, #tpu.memory_space<hbm>>)
      } else {
      }
      %scan3A_142 = arith.constant 0 : i32
      %scan3A_143 = arith.constant 0 : i32
      %scan3A_144 = arith.constant 0 : i32
      %scan3A_145 = arith.constant 0 : i32
      %scan3A_146 = arith.constant 128 : i32
      %scan3A_147 = arith.addi %scan3A_145, %scan3A_146 : i32
      %scan3A_148 = arith.constant 1 : i32
      scf.for %scan3A_224 = %scan3A_145 to %scan3A_147 step %scan3A_148  : i32 {
        %get3A_225 = arith.constant 0 : i32
        %get3A_226 = arith.constant 0 : i32
        %get3A_227 = tpu.memref_slice %arg6[%scan3A_143, %get3A_225, %get3A_226] : memref<2x128x128xf32, #tpu.memory_space<vmem>> -> memref<1x128x128xf32, #tpu.memory_space<vmem>>
        %get3A_228 = tpu.memref_squeeze %get3A_227 : memref<1x128x128xf32, #tpu.memory_space<vmem>> -> memref<128x128xf32, #tpu.memory_space<vmem>>
        %get3A_229 = arith.index_cast %scan3A_224 : i32 to index
        %get3A_230 = arith.constant 0 : index
        %get3A_231 = tpu.vector_load %get3A_228[%get3A_229, %get3A_230] {strides = array<i32>} : memref<128x128xf32, #tpu.memory_space<vmem>>, vector<1x16xf32>,
        %get3A_232 = vector.shape_cast %get3A_231 : vector<1x16xf32> to vector<16xf32>
        %ne3A = arith.cmpf one, %get3A_232, %get3A_232 : vector<16xf32>
        %jit3A = arith.constant 0.000000e+00 : f32
        %broadcast_in_dim3A_233 = vector.broadcast %jit3A : f32 to vector<16xf32>
        %select_n3A = arith.select %ne3A, %broadcast_in_dim3A_233, %get3A_232 : vector<16xi1>, vector<16xf32>
        %mul3A_234 = arith.mulf %select_n3A, %get3A_4 : vector<16xf32>
        %swap3A = arith.constant 0 : i32
        %swap3A_235 = arith.constant 0 : i32
        %swap3A_236 = tpu.memref_slice %arg7[%scan3A_144, %swap3A, %swap3A_235] : memref<2x128x128xf32, #tpu.memory_space<vmem>> -> memref<1x128x128xf32, #tpu.memory_space<vmem>>
        %swap3A_237 = tpu.memref_squeeze %swap3A_236 : memref<1x128x128xf32, #tpu.memory_space<vmem>> -> memref<128x128xf32, #tpu.memory_space<vmem>>
        %swap3A_238 = arith.index_cast %scan3A_224 : i32 to index
        %swap3A_239 = arith.constant 0 : index
        %swap3A_240 = tpu.vector_load %swap3A_237[%swap3A_238, %swap3A_239] {strides = array<i32>} : memref<128x128xf32, #tpu.memory_space<vmem>>, vector<1x16xf32>,
        %swap3A_241 = vector.shape_cast %swap3A_240 : vector<1x16xf32> to vector<16xf32>
        %swap3A_242 = vector.shape_cast %select_n3A : vector<16xf32> to vector<1x16xf32>
        tpu.vector_store %swap3A_237[%swap3A_238, %swap3A_239], %swap3A_242 {strides = array<i32>} : memref<128x128xf32, #tpu.memory_space<vmem>>, vector<1x16xf32>,
        %get3A_243 = arith.constant 0 : i32
        %get3A_244 = arith.constant 0 : i32
        %get3A_245 = tpu.memref_slice %arg6[%scan3A_143, %get3A_243, %get3A_244] : memref<2x128x128xf32, #tpu.memory_space<vmem>> -> memref<1x128x128xf32, #tpu.memory_space<vmem>>
        %get3A_246 = tpu.memref_squeeze %get3A_245 : memref<1x128x128xf32, #tpu.memory_space<vmem>> -> memref<128x128xf32, #tpu.memory_space<vmem>>
        %get3A_247 = arith.index_cast %scan3A_224 : i32 to index
        %get3A_248 = arith.constant 16 : index
        %get3A_249 = tpu.vector_load %get3A_246[%get3A_247, %get3A_248] {strides = array<i32>} : memref<128x128xf32, #tpu.memory_space<vmem>>, vector<1x16xf32>,
        %get3A_250 = vector.shape_cast %get3A_249 : vector<1x16xf32> to vector<16xf32>
        %ne3A_251 = arith.cmpf one, %get3A_250, %get3A_250 : vector<16xf32>
        %jit3A_252 = arith.constant 0.000000e+00 : f32
        %broadcast_in_dim3A_253 = vector.broadcast %jit3A_252 : f32 to vector<16xf32>
        %select_n3A_254 = arith.select %ne3A_251, %broadcast_in_dim3A_253, %get3A_250 : vector<16xi1>, vector<16xf32>
        %mul3A_255 = arith.mulf %select_n3A_254, %get3A_7 : vector<16xf32>
        %swap3A_256 = arith.constant 0 : i32
        %swap3A_257 = arith.constant 0 : i32
        %swap3A_258 = tpu.memref_slice %arg7[%scan3A_144, %swap3A_256, %swap3A_257] : memref<2x128x128xf32, #tpu.memory_space<vmem>> -> memref<1x128x128xf32, #tpu.memory_space<vmem>>
        %swap3A_259 = tpu.memref_squeeze %swap3A_258 : memref<1x128x128xf32, #tpu.memory_space<vmem>> -> memref<128x128xf32, #tpu.memory_space<vmem>>
        %swap3A_260 = arith.index_cast %scan3A_224 : i32 to index
        %swap3A_261 = arith.constant 16 : index
        %swap3A_262 = tpu.vector_load %swap3A_259[%swap3A_260, %swap3A_261] {strides = array<i32>} : memref<128x128xf32, #tpu.memory_space<vmem>>, vector<1x16xf32>,
        %swap3A_263 = vector.shape_cast %swap3A_262 : vector<1x16xf32> to vector<16xf32>
        %swap3A_264 = vector.shape_cast %select_n3A_254 : vector<16xf32> to vector<1x16xf32>
        tpu.vector_store %swap3A_259[%swap3A_260, %swap3A_261], %swap3A_264 {strides = array<i32>} : memref<128x128xf32, #tpu.memory_space<vmem>>, vector<1x16xf32>,
        %get3A_265 = arith.constant 0 : i32
        %get3A_266 = arith.constant 0 : i32
        %get3A_267 = tpu.memref_slice %arg6[%scan3A_143, %get3A_265, %get3A_266] : memref<2x128x128xf32, #tpu.memory_space<vmem>> -> memref<1x128x128xf32, #tpu.memory_space<vmem>>
        %get3A_268 = tpu.memref_squeeze %get3A_267 : memref<1x128x128xf32, #tpu.memory_space<vmem>> -> memref<128x128xf32, #tpu.memory_space<vmem>>
        %get3A_269 = arith.index_cast %scan3A_224 : i32 to index
        %get3A_270 = arith.constant 32 : index
        %get3A_271 = tpu.vector_load %get3A_268[%get3A_269, %get3A_270] {strides = array<i32>} : memref<128x128xf32, #tpu.memory_space<vmem>>, vector<1x16xf32>,
        %get3A_272 = vector.shape_cast %get3A_271 : vector<1x16xf32> to vector<16xf32>
        %ne3A_273 = arith.cmpf one, %get3A_272, %get3A_272 : vector<16xf32>
        %jit3A_274 = arith.constant 0.000000e+00 : f32
        %broadcast_in_dim3A_275 = vector.broadcast %jit3A_274 : f32 to vector<16xf32>
        %select_n3A_276 = arith.select %ne3A_273, %broadcast_in_dim3A_275, %get3A_272 : vector<16xi1>, vector<16xf32>
        %mul3A_277 = arith.mulf %select_n3A_276, %get3A_10 : vector<16xf32>
        %swap3A_278 = arith.constant 0 : i32
        %swap3A_279 = arith.constant 0 : i32
        %swap3A_280 = tpu.memref_slice %arg7[%scan3A_144, %swap3A_278, %swap3A_279] : memref<2x128x128xf32, #tpu.memory_space<vmem>> -> memref<1x128x128xf32, #tpu.memory_space<vmem>>
        %swap3A_281 = tpu.memref_squeeze %swap3A_280 : memref<1x128x128xf32, #tpu.memory_space<vmem>> -> memref<128x128xf32, #tpu.memory_space<vmem>>
        %swap3A_282 = arith.index_cast %scan3A_224 : i32 to index
        %swap3A_283 = arith.constant 32 : index
        %swap3A_284 = tpu.vector_load %swap3A_281[%swap3A_282, %swap3A_283] {strides = array<i32>} : memref<128x128xf32, #tpu.memory_space<vmem>>, vector<1x16xf32>,
        %swap3A_285 = vector.shape_cast %swap3A_284 : vector<1x16xf32> to vector<16xf32>
        %swap3A_286 = vector.shape_cast %select_n3A_276 : vector<16xf32> to vector<1x16xf32>
        tpu.vector_store %swap3A_281[%swap3A_282, %swap3A_283], %swap3A_286 {strides = array<i32>} : memref<128x128xf32, #tpu.memory_space<vmem>>, vector<1x16xf32>,
        %get3A_287 = arith.constant 0 : i32
        %get3A_288 = arith.constant 0 : i32
        %get3A_289 = tpu.memref_slice %arg6[%scan3A_143, %get3A_287, %get3A_288] : memref<2x128x128xf32, #tpu.memory_space<vmem>> -> memref<1x128x128xf32, #tpu.memory_space<vmem>>
        %get3A_290 = tpu.memref_squeeze %get3A_289 : memref<1x128x128xf32, #tpu.memory_space<vmem>> -> memref<128x128xf32, #tpu.memory_space<vmem>>
        %get3A_291 = arith.index_cast %scan3A_224 : i32 to index
        %get3A_292 = arith.constant 48 : index
        %get3A_293 = tpu.vector_load %get3A_290[%get3A_291, %get3A_292] {strides = array<i32>} : memref<128x128xf32, #tpu.memory_space<vmem>>, vector<1x16xf32>,
        %get3A_294 = vector.shape_cast %get3A_293 : vector<1x16xf32> to vector<16xf32>
        %ne3A_295 = arith.cmpf one, %get3A_294, %get3A_294 : vector<16xf32>
        %jit3A_296 = arith.constant 0.000000e+00 : f32
        %broadcast_in_dim3A_297 = vector.broadcast %jit3A_296 : f32 to vector<16xf32>
        %select_n3A_298 = arith.select %ne3A_295, %broadcast_in_dim3A_297, %get3A_294 : vector<16xi1>, vector<16xf32>
        %mul3A_299 = arith.mulf %select_n3A_298, %get3A_13 : vector<16xf32>
        %swap3A_300 = arith.constant 0 : i32
        %swap3A_301 = arith.constant 0 : i32
        %swap3A_302 = tpu.memref_slice %arg7[%scan3A_144, %swap3A_300, %swap3A_301] : memref<2x128x128xf32, #tpu.memory_space<vmem>> -> memref<1x128x128xf32, #tpu.memory_space<vmem>>
        %swap3A_303 = tpu.memref_squeeze %swap3A_302 : memref<1x128x128xf32, #tpu.memory_space<vmem>> -> memref<128x128xf32, #tpu.memory_space<vmem>>
        %swap3A_304 = arith.index_cast %scan3A_224 : i32 to index
        %swap3A_305 = arith.constant 48 : index
        %swap3A_306 = tpu.vector_load %swap3A_303[%swap3A_304, %swap3A_305] {strides = array<i32>} : memref<128x128xf32, #tpu.memory_space<vmem>>, vector<1x16xf32>,
        %swap3A_307 = vector.shape_cast %swap3A_306 : vector<1x16xf32> to vector<16xf32>
        %swap3A_308 = vector.shape_cast %select_n3A_298 : vector<16xf32> to vector<1x16xf32>
        tpu.vector_store %swap3A_303[%swap3A_304, %swap3A_305], %swap3A_308 {strides = array<i32>} : memref<128x128xf32, #tpu.memory_space<vmem>>, vector<1x16xf32>,
        %get3A_309 = arith.constant 0 : i32
        %get3A_310 = arith.constant 0 : i32
        %get3A_311 = tpu.memref_slice %arg6[%scan3A_143, %get3A_309, %get3A_310] : memref<2x128x128xf32, #tpu.memory_space<vmem>> -> memref<1x128x128xf32, #tpu.memory_space<vmem>>
        %get3A_312 = tpu.memref_squeeze %get3A_311 : memref<1x128x128xf32, #tpu.memory_space<vmem>> -> memref<128x128xf32, #tpu.memory_space<vmem>>
        %get3A_313 = arith.index_cast %scan3A_224 : i32 to index
        %get3A_314 = arith.constant 64 : index
        %get3A_315 = tpu.vector_load %get3A_312[%get3A_313, %get3A_314] {strides = array<i32>} : memref<128x128xf32, #tpu.memory_space<vmem>>, vector<1x16xf32>,
        %get3A_316 = vector.shape_cast %get3A_315 : vector<1x16xf32> to vector<16xf32>
        %ne3A_317 = arith.cmpf one, %get3A_316, %get3A_316 : vector<16xf32>
        %jit3A_318 = arith.constant 0.000000e+00 : f32
        %broadcast_in_dim3A_319 = vector.broadcast %jit3A_318 : f32 to vector<16xf32>
        %select_n3A_320 = arith.select %ne3A_317, %broadcast_in_dim3A_319, %get3A_316 : vector<16xi1>, vector<16xf32>
        %mul3A_321 = arith.mulf %select_n3A_320, %get3A_16 : vector<16xf32>
        %swap3A_322 = arith.constant 0 : i32
        %swap3A_323 = arith.constant 0 : i32
        %swap3A_324 = tpu.memref_slice %arg7[%scan3A_144, %swap3A_322, %swap3A_323] : memref<2x128x128xf32, #tpu.memory_space<vmem>> -> memref<1x128x128xf32, #tpu.memory_space<vmem>>
        %swap3A_325 = tpu.memref_squeeze %swap3A_324 : memref<1x128x128xf32, #tpu.memory_space<vmem>> -> memref<128x128xf32, #tpu.memory_space<vmem>>
        %swap3A_326 = arith.index_cast %scan3A_224 : i32 to index
        %swap3A_327 = arith.constant 64 : index
        %swap3A_328 = tpu.vector_load %swap3A_325[%swap3A_326, %swap3A_327] {strides = array<i32>} : memref<128x128xf32, #tpu.memory_space<vmem>>, vector<1x16xf32>,
        %swap3A_329 = vector.shape_cast %swap3A_328 : vector<1x16xf32> to vector<16xf32>
        %swap3A_330 = vector.shape_cast %select_n3A_320 : vector<16xf32> to vector<1x16xf32>
        tpu.vector_store %swap3A_325[%swap3A_326, %swap3A_327], %swap3A_330 {strides = array<i32>} : memref<128x128xf32, #tpu.memory_space<vmem>>, vector<1x16xf32>,
        %get3A_331 = arith.constant 0 : i32
        %get3A_332 = arith.constant 0 : i32
        %get3A_333 = tpu.memref_slice %arg6[%scan3A_143, %get3A_331, %get3A_332] : memref<2x128x128xf32, #tpu.memory_space<vmem>> -> memref<1x128x128xf32, #tpu.memory_space<vmem>>
        %get3A_334 = tpu.memref_squeeze %get3A_333 : memref<1x128x128xf32, #tpu.memory_space<vmem>> -> memref<128x128xf32, #tpu.memory_space<vmem>>
        %get3A_335 = arith.index_cast %scan3A_224 : i32 to index
        %get3A_336 = arith.constant 80 : index
        %get3A_337 = tpu.vector_load %get3A_334[%get3A_335, %get3A_336] {strides = array<i32>} : memref<128x128xf32, #tpu.memory_space<vmem>>, vector<1x16xf32>,
        %get3A_338 = vector.shape_cast %get3A_337 : vector<1x16xf32> to vector<16xf32>
        %ne3A_339 = arith.cmpf one, %get3A_338, %get3A_338 : vector<16xf32>
        %jit3A_340 = arith.constant 0.000000e+00 : f32
        %broadcast_in_dim3A_341 = vector.broadcast %jit3A_340 : f32 to vector<16xf32>
        %select_n3A_342 = arith.select %ne3A_339, %broadcast_in_dim3A_341, %get3A_338 : vector<16xi1>, vector<16xf32>
        %mul3A_343 = arith.mulf %select_n3A_342, %get3A_19 : vector<16xf32>
        %swap3A_344 = arith.constant 0 : i32
        %swap3A_345 = arith.constant 0 : i32
        %swap3A_346 = tpu.memref_slice %arg7[%scan3A_144, %swap3A_344, %swap3A_345] : memref<2x128x128xf32, #tpu.memory_space<vmem>> -> memref<1x128x128xf32, #tpu.memory_space<vmem>>
        %swap3A_347 = tpu.memref_squeeze %swap3A_346 : memref<1x128x128xf32, #tpu.memory_space<vmem>> -> memref<128x128xf32, #tpu.memory_space<vmem>>
        %swap3A_348 = arith.index_cast %scan3A_224 : i32 to index
        %swap3A_349 = arith.constant 80 : index
        %swap3A_350 = tpu.vector_load %swap3A_347[%swap3A_348, %swap3A_349] {strides = array<i32>} : memref<128x128xf32, #tpu.memory_space<vmem>>, vector<1x16xf32>,
        %swap3A_351 = vector.shape_cast %swap3A_350 : vector<1x16xf32> to vector<16xf32>
        %swap3A_352 = vector.shape_cast %select_n3A_342 : vector<16xf32> to vector<1x16xf32>
        tpu.vector_store %swap3A_347[%swap3A_348, %swap3A_349], %swap3A_352 {strides = array<i32>} : memref<128x128xf32, #tpu.memory_space<vmem>>, vector<1x16xf32>,
        %get3A_353 = arith.constant 0 : i32
        %get3A_354 = arith.constant 0 : i32
        %get3A_355 = tpu.memref_slice %arg6[%scan3A_143, %get3A_353, %get3A_354] : memref<2x128x128xf32, #tpu.memory_space<vmem>> -> memref<1x128x128xf32, #tpu.memory_space<vmem>>
        %get3A_356 = tpu.memref_squeeze %get3A_355 : memref<1x128x128xf32, #tpu.memory_space<vmem>> -> memref<128x128xf32, #tpu.memory_space<vmem>>
        %get3A_357 = arith.index_cast %scan3A_224 : i32 to index
        %get3A_358 = arith.constant 96 : index
        %get3A_359 = tpu.vector_load %get3A_356[%get3A_357, %get3A_358] {strides = array<i32>} : memref<128x128xf32, #tpu.memory_space<vmem>>, vector<1x16xf32>,
        %get3A_360 = vector.shape_cast %get3A_359 : vector<1x16xf32> to vector<16xf32>
        %ne3A_361 = arith.cmpf one, %get3A_360, %get3A_360 : vector<16xf32>
        %jit3A_362 = arith.constant 0.000000e+00 : f32
        %broadcast_in_dim3A_363 = vector.broadcast %jit3A_362 : f32 to vector<16xf32>
        %select_n3A_364 = arith.select %ne3A_361, %broadcast_in_dim3A_363, %get3A_360 : vector<16xi1>, vector<16xf32>
        %mul3A_365 = arith.mulf %select_n3A_364, %get3A_22 : vector<16xf32>
        %swap3A_366 = arith.constant 0 : i32
        %swap3A_367 = arith.constant 0 : i32
        %swap3A_368 = tpu.memref_slice %arg7[%scan3A_144, %swap3A_366, %swap3A_367] : memref<2x128x128xf32, #tpu.memory_space<vmem>> -> memref<1x128x128xf32, #tpu.memory_space<vmem>>
        %swap3A_369 = tpu.memref_squeeze %swap3A_368 : memref<1x128x128xf32, #tpu.memory_space<vmem>> -> memref<128x128xf32, #tpu.memory_space<vmem>>
        %swap3A_370 = arith.index_cast %scan3A_224 : i32 to index
        %swap3A_371 = arith.constant 96 : index
        %swap3A_372 = tpu.vector_load %swap3A_369[%swap3A_370, %swap3A_371] {strides = array<i32>} : memref<128x128xf32, #tpu.memory_space<vmem>>, vector<1x16xf32>,
        %swap3A_373 = vector.shape_cast %swap3A_372 : vector<1x16xf32> to vector<16xf32>
        %swap3A_374 = vector.shape_cast %select_n3A_364 : vector<16xf32> to vector<1x16xf32>
        tpu.vector_store %swap3A_369[%swap3A_370, %swap3A_371], %swap3A_374 {strides = array<i32>} : memref<128x128xf32, #tpu.memory_space<vmem>>, vector<1x16xf32>,
        %get3A_375 = arith.constant 0 : i32
        %get3A_376 = arith.constant 0 : i32
        %get3A_377 = tpu.memref_slice %arg6[%scan3A_143, %get3A_375, %get3A_376] : memref<2x128x128xf32, #tpu.memory_space<vmem>> -> memref<1x128x128xf32, #tpu.memory_space<vmem>>
        %get3A_378 = tpu.memref_squeeze %get3A_377 : memref<1x128x128xf32, #tpu.memory_space<vmem>> -> memref<128x128xf32, #tpu.memory_space<vmem>>
        %get3A_379 = arith.index_cast %scan3A_224 : i32 to index
        %get3A_380 = arith.constant 112 : index
        %get3A_381 = tpu.vector_load %get3A_378[%get3A_379, %get3A_380] {strides = array<i32>} : memref<128x128xf32, #tpu.memory_space<vmem>>, vector<1x16xf32>,
        %get3A_382 = vector.shape_cast %get3A_381 : vector<1x16xf32> to vector<16xf32>
        %ne3A_383 = arith.cmpf one, %get3A_382, %get3A_382 : vector<16xf32>
        %jit3A_384 = arith.constant 0.000000e+00 : f32
        %broadcast_in_dim3A_385 = vector.broadcast %jit3A_384 : f32 to vector<16xf32>
        %select_n3A_386 = arith.select %ne3A_383, %broadcast_in_dim3A_385, %get3A_382 : vector<16xi1>, vector<16xf32>
        %mul3A_387 = arith.mulf %select_n3A_386, %get3A_25 : vector<16xf32>
        %add3A_388 = arith.addf %mul3A_234, %mul3A_255 : vector<16xf32>
        %add3A_389 = arith.addf %mul3A_277, %mul3A_299 : vector<16xf32>
        %add3A_390 = arith.addf %mul3A_321, %mul3A_343 : vector<16xf32>
        %add3A_391 = arith.addf %mul3A_365, %mul3A_387 : vector<16xf32>
        %add3A_392 = arith.addf %add3A_388, %add3A_389 : vector<16xf32>
        %add3A_393 = arith.addf %add3A_390, %add3A_391 : vector<16xf32>
        %add3A_394 = arith.addf %add3A_392, %add3A_393 : vector<16xf32>
        %xor3A_395 = arith.constant 1 : i32
        %xor3A_396 = vector.broadcast %xor3A_395 : i32 to vector<16xi32>
        %xor3A_397 = arith.xori %iota3A, %xor3A_396 : vector<16xi32>
        %broadcast_in_dim3A_398 = vector.shape_cast %xor3A_397 : vector<16xi32> to vector<16x1xi32>
        %gather3A_399 = vector.shape_cast %broadcast_in_dim3A_398 : vector<16x1xi32> to vector<16xi32>
        %gather3A_400 = tpu.dynamic_gather %add3A_394[%gather3A_399] in [0] : vector<16xf32>, vector<16xi32> -> vector<16xf32>
        %add3A_401 = arith.addf %add3A_394, %gather3A_400 : vector<16xf32>
        %xor3A_402 = arith.constant 2 : i32
        %xor3A_403 = vector.broadcast %xor3A_402 : i32 to vector<16xi32>
        %xor3A_404 = arith.xori %iota3A, %xor3A_403 : vector<16xi32>
        %broadcast_in_dim3A_405 = vector.shape_cast %xor3A_404 : vector<16xi32> to vector<16x1xi32>
        %gather3A_406 = vector.shape_cast %broadcast_in_dim3A_405 : vector<16x1xi32> to vector<16xi32>
        %gather3A_407 = tpu.dynamic_gather %add3A_401[%gather3A_406] in [0] : vector<16xf32>, vector<16xi32> -> vector<16xf32>
        %add3A_408 = arith.addf %add3A_401, %gather3A_407 : vector<16xf32>
        %xor3A_409 = arith.constant 4 : i32
        %xor3A_410 = vector.broadcast %xor3A_409 : i32 to vector<16xi32>
        %xor3A_411 = arith.xori %iota3A, %xor3A_410 : vector<16xi32>
        %broadcast_in_dim3A_412 = vector.shape_cast %xor3A_411 : vector<16xi32> to vector<16x1xi32>
        %gather3A_413 = vector.shape_cast %broadcast_in_dim3A_412 : vector<16x1xi32> to vector<16xi32>
        %gather3A_414 = tpu.dynamic_gather %add3A_408[%gather3A_413] in [0] : vector<16xf32>, vector<16xi32> -> vector<16xf32>
        %add3A_415 = arith.addf %add3A_408, %gather3A_414 : vector<16xf32>
        %xor3A_416 = arith.constant 8 : i32
        %xor3A_417 = vector.broadcast %xor3A_416 : i32 to vector<16xi32>
        %xor3A_418 = arith.xori %iota3A, %xor3A_417 : vector<16xi32>
        %broadcast_in_dim3A_419 = vector.shape_cast %xor3A_418 : vector<16xi32> to vector<16x1xi32>
        %gather3A_420 = vector.shape_cast %broadcast_in_dim3A_419 : vector<16x1xi32> to vector<16xi32>
        %gather3A_421 = tpu.dynamic_gather %add3A_415[%gather3A_420] in [0] : vector<16xf32>, vector<16xi32> -> vector<16xf32>
        %add3A_422 = arith.addf %add3A_415, %gather3A_421 : vector<16xf32>
        %add3A_423 = arith.addf %add3A_422, %add3A_55 : vector<16xf32>
        %select_n3A_424 = arith.select %ne3A_383, %add3A_423, %get3A_382 : vector<16xi1>, vector<16xf32>
        %select_n3A_425 = arith.select %eq3A_27, %select_n3A_424, %select_n3A_386 : vector<16xi1>, vector<16xf32>
        %swap3A_426 = arith.constant 0 : i32
        %swap3A_427 = arith.constant 0 : i32
        %swap3A_428 = tpu.memref_slice %arg7[%scan3A_144, %swap3A_426, %swap3A_427] : memref<2x128x128xf32, #tpu.memory_space<vmem>> -> memref<1x128x128xf32, #tpu.memory_space<vmem>>
        %swap3A_429 = tpu.memref_squeeze %swap3A_428 : memref<1x128x128xf32, #tpu.memory_space<vmem>> -> memref<128x128xf32, #tpu.memory_space<vmem>>
        %swap3A_430 = arith.index_cast %scan3A_224 : i32 to index
        %swap3A_431 = arith.constant 112 : index
        %swap3A_432 = tpu.vector_load %swap3A_429[%swap3A_430, %swap3A_431] {strides = array<i32>} : memref<128x128xf32, #tpu.memory_space<vmem>>, vector<1x16xf32>,
        %swap3A_433 = vector.shape_cast %swap3A_432 : vector<1x16xf32> to vector<16xf32>
        %swap3A_434 = vector.shape_cast %select_n3A_425 : vector<16xf32> to vector<1x16xf32>
        tpu.vector_store %swap3A_429[%swap3A_430, %swap3A_431], %swap3A_434 {strides = array<i32>} : memref<128x128xf32, #tpu.memory_space<vmem>>, vector<1x16xf32>,
      }
      %scan3A_149 = arith.constant 128 : i32
      %mul3A_150 = arith.constant 128 : i32
      %mul3A_151 = arith.muli %add3A_123, %mul3A_150 : i32
      %add3A_152 = arith.addi %mul3A_2, %mul3A_151 : i32
      %dma_start3A_153 = arith.constant 0 : i32
      %dma_start3A_154 = arith.constant 0 : i32
      %dma_start3A_155 = arith.constant 0 : i32
      %dma_start3A_156 = tpu.memref_slice %arg7[%dma_start3A_153, %dma_start3A_154, %dma_start3A_155] : memref<2x128x128xf32, #tpu.memory_space<vmem>> -> memref<1x128x128xf32, #tpu.memory_space<vmem>>
      %dma_start3A_157 = tpu.memref_squeeze %dma_start3A_156 : memref<1x128x128xf32, #tpu.memory_space<vmem>> -> memref<128x128xf32, #tpu.memory_space<vmem>>
      %dma_start3A_158 = arith.constant 0 : i32
      %dma_start3A_159 = tpu.memref_slice %arg4[%add3A_152, %dma_start3A_158] : memref<131072x128xf32, #tpu.memory_space<hbm>> -> memref<128x128xf32, #tpu.memory_space<hbm>>
      %dma_start3A_160 = arith.constant 0 : i32
      %dma_start3A_161 = tpu.memref_slice %arg4[%add3A_152, %dma_start3A_160] : memref<131072x128xf32, #tpu.memory_space<hbm>> -> memref<128x128xf32, #tpu.memory_space<hbm>>
      %dma_start3A_162 = arith.constant 0 : i32
      %dma_start3A_163 = arith.constant 0 : i32
      %dma_start3A_164 = tpu.memref_slice %arg7[%dma_start3A_153, %dma_start3A_162, %dma_start3A_163] : memref<2x128x128xf32, #tpu.memory_space<vmem>> -> memref<1x128x128xf32, #tpu.memory_space<vmem>>
      %dma_start3A_165 = tpu.memref_squeeze %dma_start3A_164 : memref<1x128x128xf32, #tpu.memory_space<vmem>> -> memref<128x128xf32, #tpu.memory_space<vmem>>
      tpu.enqueue_dma source(%dma_start3A_165 : memref<128x128xf32, #tpu.memory_space<vmem>>) target(%dma_start3A_161 : memref<128x128xf32, #tpu.memory_space<hbm>>) target_semaphore(%arg10 : memref<!tpu.dma_semaphore, #tpu.memory_space<semaphore_mem>>)
      %lt3A = arith.constant 15 : i32
      %lt3A_166 = arith.cmpi slt, %scan3A_119, %lt3A : i32
      %convert_element_type3A_167 = arith.extui %lt3A_166 : i1 to i32
      %cond3A_168 = arith.constant 0 : i32
      %cond3A_169 = arith.cmpi ne, %convert_element_type3A_167, %cond3A_168 : i32
      scf.if %cond3A_169 {
        %add3A_224 = arith.constant 2 : i32
        %add3A_225 = arith.addi %add3A_123, %add3A_224 : i32
        %mul3A_226 = arith.constant 128 : i32
        %mul3A_227 = arith.muli %add3A_225, %mul3A_226 : i32
        %add3A_228 = arith.addi %mul3A_2, %mul3A_227 : i32
        %dma_start3A_229 = arith.constant 0 : i32
        %dma_start3A_230 = arith.constant 0 : i32
        %dma_start3A_231 = arith.constant 0 : i32
        %dma_start3A_232 = tpu.memref_slice %arg6[%dma_start3A_229, %dma_start3A_230, %dma_start3A_231] : memref<2x128x128xf32, #tpu.memory_space<vmem>> -> memref<1x128x128xf32, #tpu.memory_space<vmem>>
        %dma_start3A_233 = tpu.memref_squeeze %dma_start3A_232 : memref<1x128x128xf32, #tpu.memory_space<vmem>> -> memref<128x128xf32, #tpu.memory_space<vmem>>
        %dma_start3A_234 = arith.constant 0 : i32
        %dma_start3A_235 = tpu.memref_slice %arg2[%add3A_228, %dma_start3A_234] : memref<131072x128xf32, #tpu.memory_space<hbm>> -> memref<128x128xf32, #tpu.memory_space<hbm>>
        %dma_start3A_236 = arith.constant 0 : i32
        %dma_start3A_237 = arith.constant 0 : i32
        %dma_start3A_238 = tpu.memref_slice %arg6[%dma_start3A_229, %dma_start3A_236, %dma_start3A_237] : memref<2x128x128xf32, #tpu.memory_space<vmem>> -> memref<1x128x128xf32, #tpu.memory_space<vmem>>
        %dma_start3A_239 = tpu.memref_squeeze %dma_start3A_238 : memref<1x128x128xf32, #tpu.memory_space<vmem>> -> memref<128x128xf32, #tpu.memory_space<vmem>>
        %dma_start3A_240 = arith.constant 0 : i32
        %dma_start3A_241 = tpu.memref_slice %arg2[%add3A_228, %dma_start3A_240] : memref<131072x128xf32, #tpu.memory_space<hbm>> -> memref<128x128xf32, #tpu.memory_space<hbm>>
        tpu.enqueue_dma source(%dma_start3A_241 : memref<128x128xf32, #tpu.memory_space<hbm>>) target(%dma_start3A_239 : memref<128x128xf32, #tpu.memory_space<vmem>>) target_semaphore(%arg8 : memref<!tpu.dma_semaphore, #tpu.memory_space<semaphore_mem>>)
      } else {
      }
      %mul3A_170 = arith.constant 2 : i32
      %mul3A_171 = arith.muli %mul3A_170, %scan3A_119 : i32
      %add3A_172 = arith.constant 1 : i32
      %add3A_173 = arith.addi %mul3A_171, %add3A_172 : i32
      %mul3A_174 = arith.constant 128 : i32
      %mul3A_175 = arith.muli %add3A_173, %mul3A_174 : i32
      %add3A_176 = arith.addi %mul3A_2, %mul3A_175 : i32
      %dma_wait3A_177 = arith.constant 1 : i32
      %dma_wait3A_178 = arith.constant 0 : i32
      %dma_wait3A_179 = arith.constant 0 : i32
      %dma_wait3A_180 = tpu.memref_slice %arg6[%dma_wait3A_177, %dma_wait3A_178, %dma_wait3A_179] : memref<2x128x128xf32, #tpu.memory_space<vmem>> -> memref<1x128x128xf32, #tpu.memory_space<vmem>>
      %dma_wait3A_181 = tpu.memref_squeeze %dma_wait3A_180 : memref<1x128x128xf32, #tpu.memory_space<vmem>> -> memref<128x128xf32, #tpu.memory_space<vmem>>
      %dma_wait3A_182 = arith.constant 0 : i32
      %dma_wait3A_183 = tpu.memref_slice %arg2[%add3A_176, %dma_wait3A_182] : memref<131072x128xf32, #tpu.memory_space<hbm>> -> memref<128x128xf32, #tpu.memory_space<hbm>>
      %dma_wait3A_184 = arith.constant 0 : i32
      %dma_wait3A_185 = arith.constant 0 : i32
      %dma_wait3A_186 = tpu.memref_slice %arg6[%dma_wait3A_177, %dma_wait3A_184, %dma_wait3A_185] : memref<2x128x128xf32, #tpu.memory_space<vmem>> -> memref<1x128x128xf32, #tpu.memory_space<vmem>>
      %dma_wait3A_187 = tpu.memref_squeeze %dma_wait3A_186 : memref<1x128x128xf32, #tpu.memory_space<vmem>> -> memref<128x128xf32, #tpu.memory_space<vmem>>
      %dma_wait3A_188 = arith.constant 0 : i32
      %dma_wait3A_189 = tpu.memref_slice %arg2[%add3A_176, %dma_wait3A_188] : memref<131072x128xf32, #tpu.memory_space<hbm>> -> memref<128x128xf32, #tpu.memory_space<hbm>>
      tpu.wait_dma2 semaphore(%arg9 : memref<!tpu.dma_semaphore, #tpu.memory_space<semaphore_mem>>) src(%dma_wait3A_189 : memref<128x128xf32, #tpu.memory_space<hbm>>) dst(%dma_wait3A_187 : memref<128x128xf32, #tpu.memory_space<vmem>>)
      %ge3A_190 = arith.constant 1 : i32
      %ge3A_191 = arith.cmpi sge, %scan3A_119, %ge3A_190 : i32
      %convert_element_type3A_192 = arith.extui %ge3A_191 : i1 to i32
      %cond3A_193 = arith.constant 0 : i32
      %cond3A_194 = arith.cmpi ne, %convert_element_type3A_192, %cond3A_193 : i32
      scf.if %cond3A_194 {
        %sub3A = arith.constant 2 : i32
        %sub3A_224 = arith.subi %add3A_173, %sub3A : i32
        %mul3A_225 = arith.constant 128 : i32
        %mul3A_226 = arith.muli %sub3A_224, %mul3A_225 : i32
        %add3A_227 = arith.addi %mul3A_2, %mul3A_226 : i32
        %dma_wait3A_228 = arith.constant 1 : i32
        %dma_wait3A_229 = arith.constant 0 : i32
        %dma_wait3A_230 = arith.constant 0 : i32
        %dma_wait3A_231 = tpu.memref_slice %arg7[%dma_wait3A_228, %dma_wait3A_229, %dma_wait3A_230] : memref<2x128x128xf32, #tpu.memory_space<vmem>> -> memref<1x128x128xf32, #tpu.memory_space<vmem>>
        %dma_wait3A_232 = tpu.memref_squeeze %dma_wait3A_231 : memref<1x128x128xf32, #tpu.memory_space<vmem>> -> memref<128x128xf32, #tpu.memory_space<vmem>>
        %dma_wait3A_233 = arith.constant 0 : i32
        %dma_wait3A_234 = tpu.memref_slice %arg4[%add3A_227, %dma_wait3A_233] : memref<131072x128xf32, #tpu.memory_space<hbm>> -> memref<128x128xf32, #tpu.memory_space<hbm>>
        %dma_wait3A_235 = arith.constant 0 : i32
        %dma_wait3A_236 = tpu.memref_slice %arg4[%add3A_227, %dma_wait3A_235] : memref<131072x128xf32, #tpu.memory_space<hbm>> -> memref<128x128xf32, #tpu.memory_space<hbm>>
        %dma_wait3A_237 = arith.constant 0 : i32
        %dma_wait3A_238 = arith.constant 0 : i32
        %dma_wait3A_239 = tpu.memref_slice %arg7[%dma_wait3A_228, %dma_wait3A_237, %dma_wait3A_238] : memref<2x128x128xf32, #tpu.memory_space<vmem>> -> memref<1x128x128xf32, #tpu.memory_space<vmem>>
        %dma_wait3A_240 = tpu.memref_squeeze %dma_wait3A_239 : memref<1x128x128xf32, #tpu.memory_space<vmem>> -> memref<128x128xf32, #tpu.memory_space<vmem>>
        tpu.wait_dma2 semaphore(%arg11 : memref<!tpu.dma_semaphore, #tpu.memory_space<semaphore_mem>>) src(%dma_wait3A_240 : memref<128x128xf32, #tpu.memory_space<vmem>>) dst(%dma_wait3A_236 : memref<128x128xf32, #tpu.memory_space<hbm>>)
      } else {
      }
      %scan3A_195 = arith.constant 0 : i32
      %scan3A_196 = arith.constant 1 : i32
      %scan3A_197 = arith.constant 1 : i32
      %scan3A_198 = arith.constant 0 : i32
      %scan3A_199 = arith.constant 128 : i32
      %scan3A_200 = arith.addi %scan3A_198, %scan3A_199 : i32
      %scan3A_201 = arith.constant 1 : i32
      scf.for %scan3A_224 = %scan3A_198 to %scan3A_200 step %scan3A_201  : i32 {
        %get3A_225 = arith.constant 0 : i32
        %get3A_226 = arith.constant 0 : i32
        %get3A_227 = tpu.memref_slice %arg6[%scan3A_196, %get3A_225, %get3A_226] : memref<2x128x128xf32, #tpu.memory_space<vmem>> -> memref<1x128x128xf32, #tpu.memory_space<vmem>>
        %get3A_228 = tpu.memref_squeeze %get3A_227 : memref<1x128x128xf32, #tpu.memory_space<vmem>> -> memref<128x128xf32, #tpu.memory_space<vmem>>
        %get3A_229 = arith.index_cast %scan3A_224 : i32 to index
        %get3A_230 = arith.constant 0 : index
        %get3A_231 = tpu.vector_load %get3A_228[%get3A_229, %get3A_230] {strides = array<i32>} : memref<128x128xf32, #tpu.memory_space<vmem>>, vector<1x16xf32>,
        %get3A_232 = vector.shape_cast %get3A_231 : vector<1x16xf32> to vector<16xf32>
        %ne3A = arith.cmpf one, %get3A_232, %get3A_232 : vector<16xf32>
        %jit3A = arith.constant 0.000000e+00 : f32
        %broadcast_in_dim3A_233 = vector.broadcast %jit3A : f32 to vector<16xf32>
        %select_n3A = arith.select %ne3A, %broadcast_in_dim3A_233, %get3A_232 : vector<16xi1>, vector<16xf32>
        %mul3A_234 = arith.mulf %select_n3A, %get3A_4 : vector<16xf32>
        %swap3A = arith.constant 0 : i32
        %swap3A_235 = arith.constant 0 : i32
        %swap3A_236 = tpu.memref_slice %arg7[%scan3A_197, %swap3A, %swap3A_235] : memref<2x128x128xf32, #tpu.memory_space<vmem>> -> memref<1x128x128xf32, #tpu.memory_space<vmem>>
        %swap3A_237 = tpu.memref_squeeze %swap3A_236 : memref<1x128x128xf32, #tpu.memory_space<vmem>> -> memref<128x128xf32, #tpu.memory_space<vmem>>
        %swap3A_238 = arith.index_cast %scan3A_224 : i32 to index
        %swap3A_239 = arith.constant 0 : index
        %swap3A_240 = tpu.vector_load %swap3A_237[%swap3A_238, %swap3A_239] {strides = array<i32>} : memref<128x128xf32, #tpu.memory_space<vmem>>, vector<1x16xf32>,
        %swap3A_241 = vector.shape_cast %swap3A_240 : vector<1x16xf32> to vector<16xf32>
        %swap3A_242 = vector.shape_cast %select_n3A : vector<16xf32> to vector<1x16xf32>
        tpu.vector_store %swap3A_237[%swap3A_238, %swap3A_239], %swap3A_242 {strides = array<i32>} : memref<128x128xf32, #tpu.memory_space<vmem>>, vector<1x16xf32>,
        %get3A_243 = arith.constant 0 : i32
        %get3A_244 = arith.constant 0 : i32
        %get3A_245 = tpu.memref_slice %arg6[%scan3A_196, %get3A_243, %get3A_244] : memref<2x128x128xf32, #tpu.memory_space<vmem>> -> memref<1x128x128xf32, #tpu.memory_space<vmem>>
        %get3A_246 = tpu.memref_squeeze %get3A_245 : memref<1x128x128xf32, #tpu.memory_space<vmem>> -> memref<128x128xf32, #tpu.memory_space<vmem>>
        %get3A_247 = arith.index_cast %scan3A_224 : i32 to index
        %get3A_248 = arith.constant 16 : index
        %get3A_249 = tpu.vector_load %get3A_246[%get3A_247, %get3A_248] {strides = array<i32>} : memref<128x128xf32, #tpu.memory_space<vmem>>, vector<1x16xf32>,
        %get3A_250 = vector.shape_cast %get3A_249 : vector<1x16xf32> to vector<16xf32>
        %ne3A_251 = arith.cmpf one, %get3A_250, %get3A_250 : vector<16xf32>
        %jit3A_252 = arith.constant 0.000000e+00 : f32
        %broadcast_in_dim3A_253 = vector.broadcast %jit3A_252 : f32 to vector<16xf32>
        %select_n3A_254 = arith.select %ne3A_251, %broadcast_in_dim3A_253, %get3A_250 : vector<16xi1>, vector<16xf32>
        %mul3A_255 = arith.mulf %select_n3A_254, %get3A_7 : vector<16xf32>
        %swap3A_256 = arith.constant 0 : i32
        %swap3A_257 = arith.constant 0 : i32
        %swap3A_258 = tpu.memref_slice %arg7[%scan3A_197, %swap3A_256, %swap3A_257] : memref<2x128x128xf32, #tpu.memory_space<vmem>> -> memref<1x128x128xf32, #tpu.memory_space<vmem>>
        %swap3A_259 = tpu.memref_squeeze %swap3A_258 : memref<1x128x128xf32, #tpu.memory_space<vmem>> -> memref<128x128xf32, #tpu.memory_space<vmem>>
        %swap3A_260 = arith.index_cast %scan3A_224 : i32 to index
        %swap3A_261 = arith.constant 16 : index
        %swap3A_262 = tpu.vector_load %swap3A_259[%swap3A_260, %swap3A_261] {strides = array<i32>} : memref<128x128xf32, #tpu.memory_space<vmem>>, vector<1x16xf32>,
        %swap3A_263 = vector.shape_cast %swap3A_262 : vector<1x16xf32> to vector<16xf32>
        %swap3A_264 = vector.shape_cast %select_n3A_254 : vector<16xf32> to vector<1x16xf32>
        tpu.vector_store %swap3A_259[%swap3A_260, %swap3A_261], %swap3A_264 {strides = array<i32>} : memref<128x128xf32, #tpu.memory_space<vmem>>, vector<1x16xf32>,
        %get3A_265 = arith.constant 0 : i32
        %get3A_266 = arith.constant 0 : i32
        %get3A_267 = tpu.memref_slice %arg6[%scan3A_196, %get3A_265, %get3A_266] : memref<2x128x128xf32, #tpu.memory_space<vmem>> -> memref<1x128x128xf32, #tpu.memory_space<vmem>>
        %get3A_268 = tpu.memref_squeeze %get3A_267 : memref<1x128x128xf32, #tpu.memory_space<vmem>> -> memref<128x128xf32, #tpu.memory_space<vmem>>
        %get3A_269 = arith.index_cast %scan3A_224 : i32 to index
        %get3A_270 = arith.constant 32 : index
        %get3A_271 = tpu.vector_load %get3A_268[%get3A_269, %get3A_270] {strides = array<i32>} : memref<128x128xf32, #tpu.memory_space<vmem>>, vector<1x16xf32>,
        %get3A_272 = vector.shape_cast %get3A_271 : vector<1x16xf32> to vector<16xf32>
        %ne3A_273 = arith.cmpf one, %get3A_272, %get3A_272 : vector<16xf32>
        %jit3A_274 = arith.constant 0.000000e+00 : f32
        %broadcast_in_dim3A_275 = vector.broadcast %jit3A_274 : f32 to vector<16xf32>
        %select_n3A_276 = arith.select %ne3A_273, %broadcast_in_dim3A_275, %get3A_272 : vector<16xi1>, vector<16xf32>
        %mul3A_277 = arith.mulf %select_n3A_276, %get3A_10 : vector<16xf32>
        %swap3A_278 = arith.constant 0 : i32
        %swap3A_279 = arith.constant 0 : i32
        %swap3A_280 = tpu.memref_slice %arg7[%scan3A_197, %swap3A_278, %swap3A_279] : memref<2x128x128xf32, #tpu.memory_space<vmem>> -> memref<1x128x128xf32, #tpu.memory_space<vmem>>
        %swap3A_281 = tpu.memref_squeeze %swap3A_280 : memref<1x128x128xf32, #tpu.memory_space<vmem>> -> memref<128x128xf32, #tpu.memory_space<vmem>>
        %swap3A_282 = arith.index_cast %scan3A_224 : i32 to index
        %swap3A_283 = arith.constant 32 : index
        %swap3A_284 = tpu.vector_load %swap3A_281[%swap3A_282, %swap3A_283] {strides = array<i32>} : memref<128x128xf32, #tpu.memory_space<vmem>>, vector<1x16xf32>,
        %swap3A_285 = vector.shape_cast %swap3A_284 : vector<1x16xf32> to vector<16xf32>
        %swap3A_286 = vector.shape_cast %select_n3A_276 : vector<16xf32> to vector<1x16xf32>
        tpu.vector_store %swap3A_281[%swap3A_282, %swap3A_283], %swap3A_286 {strides = array<i32>} : memref<128x128xf32, #tpu.memory_space<vmem>>, vector<1x16xf32>,
        %get3A_287 = arith.constant 0 : i32
        %get3A_288 = arith.constant 0 : i32
        %get3A_289 = tpu.memref_slice %arg6[%scan3A_196, %get3A_287, %get3A_288] : memref<2x128x128xf32, #tpu.memory_space<vmem>> -> memref<1x128x128xf32, #tpu.memory_space<vmem>>
        %get3A_290 = tpu.memref_squeeze %get3A_289 : memref<1x128x128xf32, #tpu.memory_space<vmem>> -> memref<128x128xf32, #tpu.memory_space<vmem>>
        %get3A_291 = arith.index_cast %scan3A_224 : i32 to index
        %get3A_292 = arith.constant 48 : index
        %get3A_293 = tpu.vector_load %get3A_290[%get3A_291, %get3A_292] {strides = array<i32>} : memref<128x128xf32, #tpu.memory_space<vmem>>, vector<1x16xf32>,
        %get3A_294 = vector.shape_cast %get3A_293 : vector<1x16xf32> to vector<16xf32>
        %ne3A_295 = arith.cmpf one, %get3A_294, %get3A_294 : vector<16xf32>
        %jit3A_296 = arith.constant 0.000000e+00 : f32
        %broadcast_in_dim3A_297 = vector.broadcast %jit3A_296 : f32 to vector<16xf32>
        %select_n3A_298 = arith.select %ne3A_295, %broadcast_in_dim3A_297, %get3A_294 : vector<16xi1>, vector<16xf32>
        %mul3A_299 = arith.mulf %select_n3A_298, %get3A_13 : vector<16xf32>
        %swap3A_300 = arith.constant 0 : i32
        %swap3A_301 = arith.constant 0 : i32
        %swap3A_302 = tpu.memref_slice %arg7[%scan3A_197, %swap3A_300, %swap3A_301] : memref<2x128x128xf32, #tpu.memory_space<vmem>> -> memref<1x128x128xf32, #tpu.memory_space<vmem>>
        %swap3A_303 = tpu.memref_squeeze %swap3A_302 : memref<1x128x128xf32, #tpu.memory_space<vmem>> -> memref<128x128xf32, #tpu.memory_space<vmem>>
        %swap3A_304 = arith.index_cast %scan3A_224 : i32 to index
        %swap3A_305 = arith.constant 48 : index
        %swap3A_306 = tpu.vector_load %swap3A_303[%swap3A_304, %swap3A_305] {strides = array<i32>} : memref<128x128xf32, #tpu.memory_space<vmem>>, vector<1x16xf32>,
        %swap3A_307 = vector.shape_cast %swap3A_306 : vector<1x16xf32> to vector<16xf32>
        %swap3A_308 = vector.shape_cast %select_n3A_298 : vector<16xf32> to vector<1x16xf32>
        tpu.vector_store %swap3A_303[%swap3A_304, %swap3A_305], %swap3A_308 {strides = array<i32>} : memref<128x128xf32, #tpu.memory_space<vmem>>, vector<1x16xf32>,
        %get3A_309 = arith.constant 0 : i32
        %get3A_310 = arith.constant 0 : i32
        %get3A_311 = tpu.memref_slice %arg6[%scan3A_196, %get3A_309, %get3A_310] : memref<2x128x128xf32, #tpu.memory_space<vmem>> -> memref<1x128x128xf32, #tpu.memory_space<vmem>>
        %get3A_312 = tpu.memref_squeeze %get3A_311 : memref<1x128x128xf32, #tpu.memory_space<vmem>> -> memref<128x128xf32, #tpu.memory_space<vmem>>
        %get3A_313 = arith.index_cast %scan3A_224 : i32 to index
        %get3A_314 = arith.constant 64 : index
        %get3A_315 = tpu.vector_load %get3A_312[%get3A_313, %get3A_314] {strides = array<i32>} : memref<128x128xf32, #tpu.memory_space<vmem>>, vector<1x16xf32>,
        %get3A_316 = vector.shape_cast %get3A_315 : vector<1x16xf32> to vector<16xf32>
        %ne3A_317 = arith.cmpf one, %get3A_316, %get3A_316 : vector<16xf32>
        %jit3A_318 = arith.constant 0.000000e+00 : f32
        %broadcast_in_dim3A_319 = vector.broadcast %jit3A_318 : f32 to vector<16xf32>
        %select_n3A_320 = arith.select %ne3A_317, %broadcast_in_dim3A_319, %get3A_316 : vector<16xi1>, vector<16xf32>
        %mul3A_321 = arith.mulf %select_n3A_320, %get3A_16 : vector<16xf32>
        %swap3A_322 = arith.constant 0 : i32
        %swap3A_323 = arith.constant 0 : i32
        %swap3A_324 = tpu.memref_slice %arg7[%scan3A_197, %swap3A_322, %swap3A_323] : memref<2x128x128xf32, #tpu.memory_space<vmem>> -> memref<1x128x128xf32, #tpu.memory_space<vmem>>
        %swap3A_325 = tpu.memref_squeeze %swap3A_324 : memref<1x128x128xf32, #tpu.memory_space<vmem>> -> memref<128x128xf32, #tpu.memory_space<vmem>>
        %swap3A_326 = arith.index_cast %scan3A_224 : i32 to index
        %swap3A_327 = arith.constant 64 : index
        %swap3A_328 = tpu.vector_load %swap3A_325[%swap3A_326, %swap3A_327] {strides = array<i32>} : memref<128x128xf32, #tpu.memory_space<vmem>>, vector<1x16xf32>,
        %swap3A_329 = vector.shape_cast %swap3A_328 : vector<1x16xf32> to vector<16xf32>
        %swap3A_330 = vector.shape_cast %select_n3A_320 : vector<16xf32> to vector<1x16xf32>
        tpu.vector_store %swap3A_325[%swap3A_326, %swap3A_327], %swap3A_330 {strides = array<i32>} : memref<128x128xf32, #tpu.memory_space<vmem>>, vector<1x16xf32>,
        %get3A_331 = arith.constant 0 : i32
        %get3A_332 = arith.constant 0 : i32
        %get3A_333 = tpu.memref_slice %arg6[%scan3A_196, %get3A_331, %get3A_332] : memref<2x128x128xf32, #tpu.memory_space<vmem>> -> memref<1x128x128xf32, #tpu.memory_space<vmem>>
        %get3A_334 = tpu.memref_squeeze %get3A_333 : memref<1x128x128xf32, #tpu.memory_space<vmem>> -> memref<128x128xf32, #tpu.memory_space<vmem>>
        %get3A_335 = arith.index_cast %scan3A_224 : i32 to index
        %get3A_336 = arith.constant 80 : index
        %get3A_337 = tpu.vector_load %get3A_334[%get3A_335, %get3A_336] {strides = array<i32>} : memref<128x128xf32, #tpu.memory_space<vmem>>, vector<1x16xf32>,
        %get3A_338 = vector.shape_cast %get3A_337 : vector<1x16xf32> to vector<16xf32>
        %ne3A_339 = arith.cmpf one, %get3A_338, %get3A_338 : vector<16xf32>
        %jit3A_340 = arith.constant 0.000000e+00 : f32
        %broadcast_in_dim3A_341 = vector.broadcast %jit3A_340 : f32 to vector<16xf32>
        %select_n3A_342 = arith.select %ne3A_339, %broadcast_in_dim3A_341, %get3A_338 : vector<16xi1>, vector<16xf32>
        %mul3A_343 = arith.mulf %select_n3A_342, %get3A_19 : vector<16xf32>
        %swap3A_344 = arith.constant 0 : i32
        %swap3A_345 = arith.constant 0 : i32
        %swap3A_346 = tpu.memref_slice %arg7[%scan3A_197, %swap3A_344, %swap3A_345] : memref<2x128x128xf32, #tpu.memory_space<vmem>> -> memref<1x128x128xf32, #tpu.memory_space<vmem>>
        %swap3A_347 = tpu.memref_squeeze %swap3A_346 : memref<1x128x128xf32, #tpu.memory_space<vmem>> -> memref<128x128xf32, #tpu.memory_space<vmem>>
        %swap3A_348 = arith.index_cast %scan3A_224 : i32 to index
        %swap3A_349 = arith.constant 80 : index
        %swap3A_350 = tpu.vector_load %swap3A_347[%swap3A_348, %swap3A_349] {strides = array<i32>} : memref<128x128xf32, #tpu.memory_space<vmem>>, vector<1x16xf32>,
        %swap3A_351 = vector.shape_cast %swap3A_350 : vector<1x16xf32> to vector<16xf32>
        %swap3A_352 = vector.shape_cast %select_n3A_342 : vector<16xf32> to vector<1x16xf32>
        tpu.vector_store %swap3A_347[%swap3A_348, %swap3A_349], %swap3A_352 {strides = array<i32>} : memref<128x128xf32, #tpu.memory_space<vmem>>, vector<1x16xf32>,
        %get3A_353 = arith.constant 0 : i32
        %get3A_354 = arith.constant 0 : i32
        %get3A_355 = tpu.memref_slice %arg6[%scan3A_196, %get3A_353, %get3A_354] : memref<2x128x128xf32, #tpu.memory_space<vmem>> -> memref<1x128x128xf32, #tpu.memory_space<vmem>>
        %get3A_356 = tpu.memref_squeeze %get3A_355 : memref<1x128x128xf32, #tpu.memory_space<vmem>> -> memref<128x128xf32, #tpu.memory_space<vmem>>
        %get3A_357 = arith.index_cast %scan3A_224 : i32 to index
        %get3A_358 = arith.constant 96 : index
        %get3A_359 = tpu.vector_load %get3A_356[%get3A_357, %get3A_358] {strides = array<i32>} : memref<128x128xf32, #tpu.memory_space<vmem>>, vector<1x16xf32>,
        %get3A_360 = vector.shape_cast %get3A_359 : vector<1x16xf32> to vector<16xf32>
        %ne3A_361 = arith.cmpf one, %get3A_360, %get3A_360 : vector<16xf32>
        %jit3A_362 = arith.constant 0.000000e+00 : f32
        %broadcast_in_dim3A_363 = vector.broadcast %jit3A_362 : f32 to vector<16xf32>
        %select_n3A_364 = arith.select %ne3A_361, %broadcast_in_dim3A_363, %get3A_360 : vector<16xi1>, vector<16xf32>
        %mul3A_365 = arith.mulf %select_n3A_364, %get3A_22 : vector<16xf32>
        %swap3A_366 = arith.constant 0 : i32
        %swap3A_367 = arith.constant 0 : i32
        %swap3A_368 = tpu.memref_slice %arg7[%scan3A_197, %swap3A_366, %swap3A_367] : memref<2x128x128xf32, #tpu.memory_space<vmem>> -> memref<1x128x128xf32, #tpu.memory_space<vmem>>
        %swap3A_369 = tpu.memref_squeeze %swap3A_368 : memref<1x128x128xf32, #tpu.memory_space<vmem>> -> memref<128x128xf32, #tpu.memory_space<vmem>>
        %swap3A_370 = arith.index_cast %scan3A_224 : i32 to index
        %swap3A_371 = arith.constant 96 : index
        %swap3A_372 = tpu.vector_load %swap3A_369[%swap3A_370, %swap3A_371] {strides = array<i32>} : memref<128x128xf32, #tpu.memory_space<vmem>>, vector<1x16xf32>,
        %swap3A_373 = vector.shape_cast %swap3A_372 : vector<1x16xf32> to vector<16xf32>
        %swap3A_374 = vector.shape_cast %select_n3A_364 : vector<16xf32> to vector<1x16xf32>
        tpu.vector_store %swap3A_369[%swap3A_370, %swap3A_371], %swap3A_374 {strides = array<i32>} : memref<128x128xf32, #tpu.memory_space<vmem>>, vector<1x16xf32>,
        %get3A_375 = arith.constant 0 : i32
        %get3A_376 = arith.constant 0 : i32
        %get3A_377 = tpu.memref_slice %arg6[%scan3A_196, %get3A_375, %get3A_376] : memref<2x128x128xf32, #tpu.memory_space<vmem>> -> memref<1x128x128xf32, #tpu.memory_space<vmem>>
        %get3A_378 = tpu.memref_squeeze %get3A_377 : memref<1x128x128xf32, #tpu.memory_space<vmem>> -> memref<128x128xf32, #tpu.memory_space<vmem>>
        %get3A_379 = arith.index_cast %scan3A_224 : i32 to index
        %get3A_380 = arith.constant 112 : index
        %get3A_381 = tpu.vector_load %get3A_378[%get3A_379, %get3A_380] {strides = array<i32>} : memref<128x128xf32, #tpu.memory_space<vmem>>, vector<1x16xf32>,
        %get3A_382 = vector.shape_cast %get3A_381 : vector<1x16xf32> to vector<16xf32>
        %ne3A_383 = arith.cmpf one, %get3A_382, %get3A_382 : vector<16xf32>
        %jit3A_384 = arith.constant 0.000000e+00 : f32
        %broadcast_in_dim3A_385 = vector.broadcast %jit3A_384 : f32 to vector<16xf32>
        %select_n3A_386 = arith.select %ne3A_383, %broadcast_in_dim3A_385, %get3A_382 : vector<16xi1>, vector<16xf32>
        %mul3A_387 = arith.mulf %select_n3A_386, %get3A_25 : vector<16xf32>
        %add3A_388 = arith.addf %mul3A_234, %mul3A_255 : vector<16xf32>
        %add3A_389 = arith.addf %mul3A_277, %mul3A_299 : vector<16xf32>
        %add3A_390 = arith.addf %mul3A_321, %mul3A_343 : vector<16xf32>
        %add3A_391 = arith.addf %mul3A_365, %mul3A_387 : vector<16xf32>
        %add3A_392 = arith.addf %add3A_388, %add3A_389 : vector<16xf32>
        %add3A_393 = arith.addf %add3A_390, %add3A_391 : vector<16xf32>
        %add3A_394 = arith.addf %add3A_392, %add3A_393 : vector<16xf32>
        %xor3A_395 = arith.constant 1 : i32
        %xor3A_396 = vector.broadcast %xor3A_395 : i32 to vector<16xi32>
        %xor3A_397 = arith.xori %iota3A, %xor3A_396 : vector<16xi32>
        %broadcast_in_dim3A_398 = vector.shape_cast %xor3A_397 : vector<16xi32> to vector<16x1xi32>
        %gather3A_399 = vector.shape_cast %broadcast_in_dim3A_398 : vector<16x1xi32> to vector<16xi32>
        %gather3A_400 = tpu.dynamic_gather %add3A_394[%gather3A_399] in [0] : vector<16xf32>, vector<16xi32> -> vector<16xf32>
        %add3A_401 = arith.addf %add3A_394, %gather3A_400 : vector<16xf32>
        %xor3A_402 = arith.constant 2 : i32
        %xor3A_403 = vector.broadcast %xor3A_402 : i32 to vector<16xi32>
        %xor3A_404 = arith.xori %iota3A, %xor3A_403 : vector<16xi32>
        %broadcast_in_dim3A_405 = vector.shape_cast %xor3A_404 : vector<16xi32> to vector<16x1xi32>
        %gather3A_406 = vector.shape_cast %broadcast_in_dim3A_405 : vector<16x1xi32> to vector<16xi32>
        %gather3A_407 = tpu.dynamic_gather %add3A_401[%gather3A_406] in [0] : vector<16xf32>, vector<16xi32> -> vector<16xf32>
        %add3A_408 = arith.addf %add3A_401, %gather3A_407 : vector<16xf32>
        %xor3A_409 = arith.constant 4 : i32
        %xor3A_410 = vector.broadcast %xor3A_409 : i32 to vector<16xi32>
        %xor3A_411 = arith.xori %iota3A, %xor3A_410 : vector<16xi32>
        %broadcast_in_dim3A_412 = vector.shape_cast %xor3A_411 : vector<16xi32> to vector<16x1xi32>
        %gather3A_413 = vector.shape_cast %broadcast_in_dim3A_412 : vector<16x1xi32> to vector<16xi32>
        %gather3A_414 = tpu.dynamic_gather %add3A_408[%gather3A_413] in [0] : vector<16xf32>, vector<16xi32> -> vector<16xf32>
        %add3A_415 = arith.addf %add3A_408, %gather3A_414 : vector<16xf32>
        %xor3A_416 = arith.constant 8 : i32
        %xor3A_417 = vector.broadcast %xor3A_416 : i32 to vector<16xi32>
        %xor3A_418 = arith.xori %iota3A, %xor3A_417 : vector<16xi32>
        %broadcast_in_dim3A_419 = vector.shape_cast %xor3A_418 : vector<16xi32> to vector<16x1xi32>
        %gather3A_420 = vector.shape_cast %broadcast_in_dim3A_419 : vector<16x1xi32> to vector<16xi32>
        %gather3A_421 = tpu.dynamic_gather %add3A_415[%gather3A_420] in [0] : vector<16xf32>, vector<16xi32> -> vector<16xf32>
        %add3A_422 = arith.addf %add3A_415, %gather3A_421 : vector<16xf32>
        %add3A_423 = arith.addf %add3A_422, %add3A_55 : vector<16xf32>
        %select_n3A_424 = arith.select %ne3A_383, %add3A_423, %get3A_382 : vector<16xi1>, vector<16xf32>
        %select_n3A_425 = arith.select %eq3A_27, %select_n3A_424, %select_n3A_386 : vector<16xi1>, vector<16xf32>
        %swap3A_426 = arith.constant 0 : i32
        %swap3A_427 = arith.constant 0 : i32
        %swap3A_428 = tpu.memref_slice %arg7[%scan3A_197, %swap3A_426, %swap3A_427] : memref<2x128x128xf32, #tpu.memory_space<vmem>> -> memref<1x128x128xf32, #tpu.memory_space<vmem>>
        %swap3A_429 = tpu.memref_squeeze %swap3A_428 : memref<1x128x128xf32, #tpu.memory_space<vmem>> -> memref<128x128xf32, #tpu.memory_space<vmem>>
        %swap3A_430 = arith.index_cast %scan3A_224 : i32 to index
        %swap3A_431 = arith.constant 112 : index
        %swap3A_432 = tpu.vector_load %swap3A_429[%swap3A_430, %swap3A_431] {strides = array<i32>} : memref<128x128xf32, #tpu.memory_space<vmem>>, vector<1x16xf32>,
        %swap3A_433 = vector.shape_cast %swap3A_432 : vector<1x16xf32> to vector<16xf32>
        %swap3A_434 = vector.shape_cast %select_n3A_425 : vector<16xf32> to vector<1x16xf32>
        tpu.vector_store %swap3A_429[%swap3A_430, %swap3A_431], %swap3A_434 {strides = array<i32>} : memref<128x128xf32, #tpu.memory_space<vmem>>, vector<1x16xf32>,
      }
      %scan3A_202 = arith.constant 128 : i32
      %mul3A_203 = arith.constant 128 : i32
      %mul3A_204 = arith.muli %add3A_173, %mul3A_203 : i32
      %add3A_205 = arith.addi %mul3A_2, %mul3A_204 : i32
      %dma_start3A_206 = arith.constant 1 : i32
      %dma_start3A_207 = arith.constant 0 : i32
      %dma_start3A_208 = arith.constant 0 : i32
      %dma_start3A_209 = tpu.memref_slice %arg7[%dma_start3A_206, %dma_start3A_207, %dma_start3A_208] : memref<2x128x128xf32, #tpu.memory_space<vmem>> -> memref<1x128x128xf32, #tpu.memory_space<vmem>>
      %dma_start3A_210 = tpu.memref_squeeze %dma_start3A_209 : memref<1x128x128xf32, #tpu.memory_space<vmem>> -> memref<128x128xf32, #tpu.memory_space<vmem>>
      %dma_start3A_211 = arith.constant 0 : i32
      %dma_start3A_212 = tpu.memref_slice %arg4[%add3A_205, %dma_start3A_211] : memref<131072x128xf32, #tpu.memory_space<hbm>> -> memref<128x128xf32, #tpu.memory_space<hbm>>
      %dma_start3A_213 = arith.constant 0 : i32
      %dma_start3A_214 = tpu.memref_slice %arg4[%add3A_205, %dma_start3A_213] : memref<131072x128xf32, #tpu.memory_space<hbm>> -> memref<128x128xf32, #tpu.memory_space<hbm>>
      %dma_start3A_215 = arith.constant 0 : i32
      %dma_start3A_216 = arith.constant 0 : i32
      %dma_start3A_217 = tpu.memref_slice %arg7[%dma_start3A_206, %dma_start3A_215, %dma_start3A_216] : memref<2x128x128xf32, #tpu.memory_space<vmem>> -> memref<1x128x128xf32, #tpu.memory_space<vmem>>
      %dma_start3A_218 = tpu.memref_squeeze %dma_start3A_217 : memref<1x128x128xf32, #tpu.memory_space<vmem>> -> memref<128x128xf32, #tpu.memory_space<vmem>>
      tpu.enqueue_dma source(%dma_start3A_218 : memref<128x128xf32, #tpu.memory_space<vmem>>) target(%dma_start3A_214 : memref<128x128xf32, #tpu.memory_space<hbm>>) target_semaphore(%arg11 : memref<!tpu.dma_semaphore, #tpu.memory_space<semaphore_mem>>)
      %lt3A_219 = arith.constant 15 : i32
      %lt3A_220 = arith.cmpi slt, %scan3A_119, %lt3A_219 : i32
      %convert_element_type3A_221 = arith.extui %lt3A_220 : i1 to i32
      %cond3A_222 = arith.constant 0 : i32
      %cond3A_223 = arith.cmpi ne, %convert_element_type3A_221, %cond3A_222 : i32
      scf.if %cond3A_223 {
        %add3A_224 = arith.constant 2 : i32
        %add3A_225 = arith.addi %add3A_173, %add3A_224 : i32
        %mul3A_226 = arith.constant 128 : i32
        %mul3A_227 = arith.muli %add3A_225, %mul3A_226 : i32
        %add3A_228 = arith.addi %mul3A_2, %mul3A_227 : i32
        %dma_start3A_229 = arith.constant 1 : i32
        %dma_start3A_230 = arith.constant 0 : i32
        %dma_start3A_231 = arith.constant 0 : i32
        %dma_start3A_232 = tpu.memref_slice %arg6[%dma_start3A_229, %dma_start3A_230, %dma_start3A_231] : memref<2x128x128xf32, #tpu.memory_space<vmem>> -> memref<1x128x128xf32, #tpu.memory_space<vmem>>
        %dma_start3A_233 = tpu.memref_squeeze %dma_start3A_232 : memref<1x128x128xf32, #tpu.memory_space<vmem>> -> memref<128x128xf32, #tpu.memory_space<vmem>>
        %dma_start3A_234 = arith.constant 0 : i32
        %dma_start3A_235 = tpu.memref_slice %arg2[%add3A_228, %dma_start3A_234] : memref<131072x128xf32, #tpu.memory_space<hbm>> -> memref<128x128xf32, #tpu.memory_space<hbm>>
        %dma_start3A_236 = arith.constant 0 : i32
        %dma_start3A_237 = arith.constant 0 : i32
        %dma_start3A_238 = tpu.memref_slice %arg6[%dma_start3A_229, %dma_start3A_236, %dma_start3A_237] : memref<2x128x128xf32, #tpu.memory_space<vmem>> -> memref<1x128x128xf32, #tpu.memory_space<vmem>>
        %dma_start3A_239 = tpu.memref_squeeze %dma_start3A_238 : memref<1x128x128xf32, #tpu.memory_space<vmem>> -> memref<128x128xf32, #tpu.memory_space<vmem>>
        %dma_start3A_240 = arith.constant 0 : i32
        %dma_start3A_241 = tpu.memref_slice %arg2[%add3A_228, %dma_start3A_240] : memref<131072x128xf32, #tpu.memory_space<hbm>> -> memref<128x128xf32, #tpu.memory_space<hbm>>
        tpu.enqueue_dma source(%dma_start3A_241 : memref<128x128xf32, #tpu.memory_space<hbm>>) target(%dma_start3A_239 : memref<128x128xf32, #tpu.memory_space<vmem>>) target_semaphore(%arg9 : memref<!tpu.dma_semaphore, #tpu.memory_space<semaphore_mem>>)
      } else {
      }
    }
    %scan3A_89 = arith.constant 16 : i32
    %add3A_90 = arith.constant 3840 : i32
    %add3A_91 = arith.addi %mul3A_2, %add3A_90 : i32
    %dma_wait3A = arith.constant 0 : i32
    %dma_wait3A_92 = arith.constant 0 : i32
    %dma_wait3A_93 = arith.constant 0 : i32
    %dma_wait3A_94 = tpu.memref_slice %arg7[%dma_wait3A, %dma_wait3A_92, %dma_wait3A_93] : memref<2x128x128xf32, #tpu.memory_space<vmem>> -> memref<1x128x128xf32, #tpu.memory_space<vmem>>
    %dma_wait3A_95 = tpu.memref_squeeze %dma_wait3A_94 : memref<1x128x128xf32, #tpu.memory_space<vmem>> -> memref<128x128xf32, #tpu.memory_space<vmem>>
    %dma_wait3A_96 = arith.constant 0 : i32
    %dma_wait3A_97 = tpu.memref_slice %arg4[%add3A_91, %dma_wait3A_96] : memref<131072x128xf32, #tpu.memory_space<hbm>> -> memref<128x128xf32, #tpu.memory_space<hbm>>
    %dma_wait3A_98 = arith.constant 0 : i32
    %dma_wait3A_99 = tpu.memref_slice %arg4[%add3A_91, %dma_wait3A_98] : memref<131072x128xf32, #tpu.memory_space<hbm>> -> memref<128x128xf32, #tpu.memory_space<hbm>>
    %dma_wait3A_100 = arith.constant 0 : i32
    %dma_wait3A_101 = arith.constant 0 : i32
    %dma_wait3A_102 = tpu.memref_slice %arg7[%dma_wait3A, %dma_wait3A_100, %dma_wait3A_101] : memref<2x128x128xf32, #tpu.memory_space<vmem>> -> memref<1x128x128xf32, #tpu.memory_space<vmem>>
    %dma_wait3A_103 = tpu.memref_squeeze %dma_wait3A_102 : memref<1x128x128xf32, #tpu.memory_space<vmem>> -> memref<128x128xf32, #tpu.memory_space<vmem>>
    tpu.wait_dma2 semaphore(%arg10 : memref<!tpu.dma_semaphore, #tpu.memory_space<semaphore_mem>>) src(%dma_wait3A_103 : memref<128x128xf32, #tpu.memory_space<vmem>>) dst(%dma_wait3A_99 : memref<128x128xf32, #tpu.memory_space<hbm>>)
    %add3A_104 = arith.constant 3968 : i32
    %add3A_105 = arith.addi %mul3A_2, %add3A_104 : i32
    %dma_wait3A_106 = arith.constant 1 : i32
    %dma_wait3A_107 = arith.constant 0 : i32
    %dma_wait3A_108 = arith.constant 0 : i32
    %dma_wait3A_109 = tpu.memref_slice %arg7[%dma_wait3A_106, %dma_wait3A_107, %dma_wait3A_108] : memref<2x128x128xf32, #tpu.memory_space<vmem>> -> memref<1x128x128xf32, #tpu.memory_space<vmem>>
    %dma_wait3A_110 = tpu.memref_squeeze %dma_wait3A_109 : memref<1x128x128xf32, #tpu.memory_space<vmem>> -> memref<128x128xf32, #tpu.memory_space<vmem>>
    %dma_wait3A_111 = arith.constant 0 : i32
    %dma_wait3A_112 = tpu.memref_slice %arg4[%add3A_105, %dma_wait3A_111] : memref<131072x128xf32, #tpu.memory_space<hbm>> -> memref<128x128xf32, #tpu.memory_space<hbm>>
    %dma_wait3A_113 = arith.constant 0 : i32
    %dma_wait3A_114 = tpu.memref_slice %arg4[%add3A_105, %dma_wait3A_113] : memref<131072x128xf32, #tpu.memory_space<hbm>> -> memref<128x128xf32, #tpu.memory_space<hbm>>
    %dma_wait3A_115 = arith.constant 0 : i32
    %dma_wait3A_116 = arith.constant 0 : i32
    %dma_wait3A_117 = tpu.memref_slice %arg7[%dma_wait3A_106, %dma_wait3A_115, %dma_wait3A_116] : memref<2x128x128xf32, #tpu.memory_space<vmem>> -> memref<1x128x128xf32, #tpu.memory_space<vmem>>
    %dma_wait3A_118 = tpu.memref_squeeze %dma_wait3A_117 : memref<1x128x128xf32, #tpu.memory_space<vmem>> -> memref<128x128xf32, #tpu.memory_space<vmem>>
    tpu.wait_dma2 semaphore(%arg11 : memref<!tpu.dma_semaphore, #tpu.memory_space<semaphore_mem>>) src(%dma_wait3A_118 : memref<128x128xf32, #tpu.memory_space<vmem>>) dst(%dma_wait3A_114 : memref<128x128xf32, #tpu.memory_space<hbm>>)
    return
  }
}

</mosaic_0001>

<sc_bundles>
// kernel: _run.3.cloned.1.call-start
scs
__scs_entry_jumppad:
0x0: {  	(pc) =	sbr.rel $0x88, $3  }
0x1: {  	(tag) =	ssettag $0x0;
	lr =	simm.s32 $0x1  }
0x2: {  	[smem:$0x3F9F] =	sst lr;
	_ =	strace $0xD0000000  }
0x3: {  	_ = 	snop  }
0x4: {  	_ = 	snop  }
0x5: {  	_ = 	snop  }
0x6: {  	_ = 	snop  }
0x7: {  	_ = 	snop  }
__scs_overlays_trampoline_lowered:
0x8: {  	[smem:$0x3FAE] =	sst s0  }
0x9: {  	[smem:$0x3FAF] =	sst s1  }
0xa: {  	[smem:$0x3FB0] =	sst s2  }
0xb: {  	[smem:$0x3FB1] =	sst s3  }
0xc: {  	[smem:$0x3FB2] =	sst s4  }
0xd: {  	[smem:$0x3FB3] =	sst s5  }
0xe: {  	[smem:$0x3FB4] =	sst s6  }
0xf: {  	[smem:$0x3FB5] =	sst s7  }
0x10: {  	[smem:$0x3FB6] =	sst s8  }
0x11: {  	[smem:$0x3FB7] =	sst s9;
	s0 =	simm.s32 @!p0 $0x0  }
0x12: {  	s1 =	sld [smem:$0x3F9D];
	s0 =	simm.s32 @p0 $0x1  }
0x13: {  	[smem:$0x3FB8] =	sst s0;
	s0 =	simm.s32 @!p1 $0x0  }
0x14: {  	s2 =	sld [smem:$0x3F9C];
	s0 =	simm.s32 @p1 $0x1  }
0x15: {  	[smem:$0x3FB9] =	sst s0;
	s0 =	simm.s32 @!p2 $0x0  }
0x16: {  	s3 =	sld [smem:$0x3FDB];
	s0 =	simm.s32 @p2 $0x1  }
0x17: {  	s4 =	simm.s32 $0x1BF5;
	[smem:$0x3FBB] =	sst s0  }
0x18: {  	s0 =	sld [smem:$0x3F9E];
	_ =	swait.ge [sflag:s4], $0x0  }
0x19: {  	s7 =	sld [smem:$0x3F9F]  }
0x1a: {  	s8 =	sadd.s32 $0xFFFFE003, lr  }
0x1b: {  	s9 =	sadd.s32 $0xFFFFFEF7, lr;
	s5 =	simm.s32 $0xFFFFFFFF;
	p2 =	slt.u32 s8, $0xFFFFF086  }
0x1c: {  	p1 =	slt.u32 s9, $0xF7A;
	s5 =	simm.s32 @!p2 $0x0  }
0x1d: {  	s5 =	simm.s32 @p1 $0x1;
	p0 =	seq.s32 s7, s2  }
0x1e: {  	s7 =	smul.u32 @!p0 $0xF7A, s2;
	p2 =	seq.s32 @!p0 s5, $0x0  }
0x1f: {  	s9 =	smul.u32 $0xF7A, s1;
	s8 =	simm.s32 @!p0 $0x1BF5;
	p2 =	por !p2, p0  }
0x20: {  	[sflag:s8] =	ssyncset.s32 @!p0 $0xFFFFF086;
	s6 =	sadd.s32 @!p0 s3, s7;
	s7 =	simm.s32 @!p0 $0x108  }
0x21: {  	s3 =	sadd.s32 s3, s9;
	s6 =	sadd.s32 @!p0 $0x88, s6;
	s7 =	simm.s32 @p2 $0x1082  }
0x22: {  	[simem:s7], [sflag:s8] =	dma.local @!p0 [hbm:s6], $0xF7A  }
0x23: {  	s9 =	sor.u32 $0xD0000000, s2;
	s6 =	simm.s32 $0x108;
	_ =	swait.ge @!p0 [sflag:s8], $0x0  }
0x24: {  	s3 =	sadd.s32 $0x88, s3;
	s6 =	simm.s32 @!p1 $0x1082;
	[sflag:s4] =	ssyncset.s32 $0xFFFFF086  }
0x25: {  	[simem:s6], [sflag:s4] =	dma.local [hbm:s3], $0xF7A  }
0x26: {  	[smem:$0x3F9F] =	sst s1;
	(tag) =	ssettag s2;
	_ =	strace s9  }
0x27: {  	s1 =	sld [smem:$0x3FAF]  }
0x28: {  	s2 =	sld [smem:$0x3FB0]  }
0x29: {  	s4 =	sld [smem:$0x3FB2]  }
0x2a: {  	p0 =	seq.s32 s5, $0x0;
	s5 =	sld [smem:$0x3FB3]  }
0x2b: {  	s6 =	sld [smem:$0x3FB4]  }
0x2c: {  	s7 =	sld [smem:$0x3FB5]  }
0x2d: {  	s3 =	simm.s32 $0x108;
	s8 =	sld [smem:$0x3FB6]  }
0x2e: {  	s3 =	simm.s32 @!p0 $0x1082;
	s9 =	sld [smem:$0x3FB7]  }
0x2f: {  	lr =	sadd.s32 s0, s3;
	s0 =	sld [smem:$0x3FAE]  }
0x30: {  	s3 =	sld [smem:$0x3FB1]  }
0x31: {  	[smem:$0x3FBA] =	sst s10  }
0x32: {  	s10 =	sld [smem:$0x3FB8];
	_ =	sdelay $0x3  }
0x33: {  	p0 =	seq.s32 s10, $0x1;
	s10 =	sld [smem:$0x3FBA];
	_ =	sdelay $0x3  }
0x34: {  	[smem:$0x3FBA] =	sst s10  }
0x35: {  	s10 =	sld [smem:$0x3FB9];
	_ =	sdelay $0x3  }
0x36: {  	p1 =	seq.s32 s10, $0x1;
	s10 =	sld [smem:$0x3FBA];
	_ =	sdelay $0x3  }
0x37: {  	[smem:$0x3FBA] =	sst s10  }
0x38: {  	s10 =	sld [smem:$0x3FBB]  }
0x39: {  	_ = 	snop;
	(pc) =	sbr.ind lr, $3  }
0x3a: {  	_ = 	snop  }
0x3b: {  	_ = 	snop  }
0x3c: {  	p2 =	seq.s32 s10, $0x1;
	s10 =	sld [smem:$0x3FBA]  }
0x3d: {  	_ =	shalt  }
0x3e: {  	_ =	shalt  }
0x3f: {  	_ =	shalt  }
0x40: {  	_ =	shalt  }
0x41: {  	_ =	shalt  }
0x42: {  	_ =	shalt  }
0x43: {  	_ =	shalt  }
0x44: {  	_ =	shalt  }
0x45: {  	_ =	shalt  }
0x46: {  	_ =	shalt  }
0x47: {  	_ =	shalt  }
0x48: {  	_ =	shalt  }
0x49: {  	_ =	shalt  }
0x4a: {  	_ =	shalt  }
0x4b: {  	_ =	shalt  }
0x4c: {  	_ =	shalt  }
0x4d: {  	_ =	shalt  }
0x4e: {  	_ =	shalt  }
0x4f: {  	_ =	shalt  }
0x50: {  	_ =	shalt  }
0x51: {  	_ =	shalt  }
0x52: {  	_ =	shalt  }
0x53: {  	_ =	shalt  }
0x54: {  	_ =	shalt  }
0x55: {  	_ =	shalt  }
0x56: {  	_ =	shalt  }
0x57: {  	_ =	shalt  }
0x58: {  	_ =	shalt  }
0x59: {  	_ =	shalt  }
0x5a: {  	_ =	shalt  }
0x5b: {  	_ =	shalt  }
0x5c: {  	_ =	shalt  }
0x5d: {  	_ =	shalt  }
0x5e: {  	_ =	shalt  }
0x5f: {  	_ =	shalt  }
0x60: {  	_ =	shalt  }
0x61: {  	_ =	shalt  }
0x62: {  	_ =	shalt  }
0x63: {  	_ =	shalt  }
0x64: {  	_ =	shalt  }
0x65: {  	_ =	shalt  }
0x66: {  	_ =	shalt  }
0x67: {  	_ =	shalt  }
0x68: {  	_ =	shalt  }
0x69: {  	_ =	shalt  }
0x6a: {  	_ =	shalt  }
0x6b: {  	_ =	shalt  }
0x6c: {  	_ =	shalt  }
0x6d: {  	_ =	shalt  }
0x6e: {  	_ =	shalt  }
0x6f: {  	_ =	shalt  }
0x70: {  	_ =	shalt  }
0x71: {  	_ =	shalt  }
0x72: {  	_ =	shalt  }
0x73: {  	_ =	shalt  }
0x74: {  	_ =	shalt  }
0x75: {  	_ =	shalt  }
0x76: {  	_ =	shalt  }
0x77: {  	_ =	shalt  }
0x78: {  	_ =	shalt  }
0x79: {  	_ =	shalt  }
0x7a: {  	_ =	shalt  }
0x7b: {  	_ =	shalt  }
0x7c: {  	_ =	shalt  }
0x7d: {  	_ =	shalt  }
0x7e: {  	_ =	shalt  }
0x7f: {  	_ =	shalt  }
0x80: {  	_ =	shalt  }
0x81: {  	_ =	shalt  }
0x82: {  	_ =	shalt  }
0x83: {  	_ =	shalt  }
0x84: {  	_ =	shalt  }
0x85: {  	_ =	shalt  }
0x86: {  	_ =	shalt  }
0x87: {  	_ =	shalt  }
.Lfunc_end0:
.L_simem_size_0:
called_computation_lowered:
.L_overlay_start_0:
0x88: {  	s2 =	sld [smem:$0x3FD9]  }
0x89: {  	s3 =	sld [smem:$0x3FFE];
	_ =	sdelay $0x1  }
0x8a: {  	s1 =	srdreg.scid  }
0x8b: {  	s0 =	sand.u32 $0x1, s1  }
0x8c: {  	s18 =	sshll.u32 s0, $0xA;
	s2 =	sadd.s32 s3, s2  }
0x8d: {  	s2 =	sadd.s32 s2, s18  }
0x8e: {  	[smem:$0x3FC6] =	sst s2  }
0x8f: {  	_ = 	snop  }
0x90: {  	s2 =	sld [smem:$0x3FC9]  }
0x91: {  	s19 =	sld [smem:$0x3FC8]  }
0x92: {  	s4 =	sld [smem:$0x3FD0];
	(tm) =	ssettm $0x1  }
0x93: {  	s5 =	sld [smem:$0x3FFB];
	_ =	sdelay $0x3  }
0x94: {  	_ =	strace s5  }
0x95: {  	s5 =	sld [smem:$0x3FFC];
	_ =	sdelay $0x3  }
0x96: {  	_ =	strace s5  }
0x97: {  	s5 =	sld [smem:$0x3FFD];
	_ =	sdelay $0x3  }
0x98: {  	_ =	strace s5  }
0x99: {  	_ =	strace $0x8FFFFFFF  }
0x9a: {  	s20 =	sld [smem:$0x3FDB];
	_ =	sdelay $0x1  }
0x9b: {  	s6 =	simm.s32 $_scs_section_size  }
0x9c: {  	s7 =	simm.s32 $_size__tile_overlayer_lowered;
	s8 =	simm.s32 $_tile_overlayer_lowered  }
0x9d: {  	s23 =	simm.s32 $0x1BFF;
	s22 =	sshll.u32 s8, $0x1;
	s5 =	sadd.s32 s6, s20  }
0x9e: {  	s9 =	simm.s32 $0x0;
	s21 =	sshll.u32 s7, $0x1;
	s7 =	sadd.s32 s22, s5  }
0x9f: {  	[timem:s9], [sflag:s23] =	dma.local [hbm:s7], s21  }
0xa0: {  	_ =	swait.ge [sflag:s23], s21  }
0xa1: {  	s6 =	ssub.s32 $0x0, s21;
	[sflag:s23] =	ssyncset.done $0x0  }
0xa2: {  	[sflag:s23] =	ssyncadd.s32 s6;
	_ =	sdelay $0x1  }
0xa3: {  	s24 =	simm.s32 $0x1B8B  }
0xa4: {  	_ =	swait.ge [sflag:s24], $0x1  }
0xa5: {  	[sflag:s24] =	ssyncset.done $0x0  }
0xa6: {  	s25 =	simm.s32 $0x1B8E;
	[sflag:s24] =	ssyncadd.s32 $0xFFFFFFFF  }
0xa7: {  	s26 =	simm.s32 $execute0_lowered;
	[smem:$0x3FD2] =	sst s25  }
0xa8: {  	s6 =	sshll.u32 s26, $0x1;
	_ =	strace $0x80000046;
	[dreg:$0x1] =	wrdreg $0xFFFFFFFF  }
0xa9: {  	s28 =	simm.s32 $_size_execute0_lowered;
	s5 =	sadd.s32 s5, s6;
	[dreg:$0x0] =	wrdreg $0x0  }
0xaa: {  	s6 =	sshll.u32 s28, $0x1;
	[dreg:$0x2] =	wrdreg s5  }
0xab: {  	[dreg:$0x3] =	wrdreg s6  }
0xac: {  	[dreg:$0x4] =	wrdreg $0xC0  }
0xad: {  	_ =	task [dreg:s9], $0x5FFFF  }
0xae: {  	[dreg:$0x1] =	wrdreg $0xFFFFFFFF  }
0xaf: {  	[dreg:$0x0] =	wrdreg $0x60  }
0xb0: {  	[dreg:$0x2] =	wrdreg s2  }
0xb1: {  	[dreg:$0x3] =	wrdreg s19  }
0xb2: {  	[dreg:$0x4] =	wrdreg s4  }
0xb3: {  	[dreg:$0x5] =	wrdreg $0x9  }
0xb4: {  	_ =	task.clear_ibuf [dreg:s9], $0x6FFFF;
	_ =	strace $0x90000046  }
0xb5: {  	s29 =	simm.s32 $0x9;
	_ =	strace $0x80000048  }
0xb6: {  	_ =	swait.ge [sflag:s29], $0x1  }
0xb7: {  	[sflag:s29] =	ssyncadd.s32 $0xFFFFFFFF  }
0xb8: {  	_ =	strace $0x90000048  }
0xb9: {  	_ =	sfence  }
0xba: {  	s30 =	sld [smem:$0x0];
	_ =	sdelay $0x2  }
0xbb: {  	s31 =	sshll.u32 s1, $0xD;
	s1 =	sshrl.u32 s1, $0x2  }
0xbc: {  	s3 =	sand.u32 $0x4000, s31;
	s1 =	sadd.s32 s1, s30  }
0xbd: {  	s0 =	sor.u32 s3, s0;
	s1 =	sshll.u32 s1, $0x11  }
0xbe: {  	s0 =	sor.u32 s1, s0  }
0xbf: {  	s0 =	sadd.s32 $0x8F2B, s0  }
0xc0: {  	[sflag:s0] =	ssyncadd.remote.s32 $0x1  }
0xc1: {  	_ =	sfence.sel $0xFFFF  }
0xc2: {  	[dreg:$0x0] =	wrdreg $0xFFFFFFFF;
	(pc) =	sbr.abs _section_cstart, $3  }
0xc3: {  	[dreg:$0x1] =	wrdreg $0xFFFFFFFF  }
0xc4: {  	_ =	task.clear_ibuf [dreg:s9], $0x2FFFF;
	_ =	strace $0x9FFFFFFF  }
0xc5: {  	(tm) =	ssettm $0x7FFFFFFF  }
tec
execute0_lowered:
.L_overlay_start_1:
0x0: {  	(tag) =	ssettag $0x1  }
0x1: {  	s2 =	rddreg [dreg:$0x0]  }
0x2: {  	s3 =	rddreg [dreg:$0x1]  }
0x3: {  	s0 =	srdreg.scid;
	s4 =	rddreg [dreg:$0x2]  }
0x4: {  	s1 =	stileid.u32;
	s5 =	simm.s32 $0x0;
	s13 =	simm.s32 $0x5  }
0x5: {  	s14 =	simm.s32 $0x100;
	s15 =	simm.s32 $0x4100;
	s16 =	simm.s32 $0x1  }
0x6: {  	s17 =	simm.s32 $0x8100;
	s18 =	simm.s32 $0x2;
	s19 =	simm.s32 $0xC100  }
0x7: {  	s20 =	simm.s32 $0x3;
	s21 =	simm.s32 $0x4;
	s22 =	simm.s32 $0x0  }
0x8: {  	s6 =	sand.u32 $0x1, s0;
	s0 =	rddreg [dreg:$0x3];
	s7 =	sshll.u32 s1, $0xD  }
.Ltmp0:
0x9: {  	s8 =	sshll.u32 s6, $0xC;
	s9 =	ssub.s32 $0x2, s6;
	(pc) =	sbr.rel .LBB2_1-.Ltmp0, $4  }
0xa: {  	[smem:$0x7FF] =	sst s5;
	s6 =	sor.u32 s8, s7;
	s31 =	sshrl.u32 s9, $0x1  }
0xb: {  	_ =	strace $0x80000047;
	s10 =	sshll.u32 s6, $0x4;
	s12 =	ssub.s32 s9, s31  }
0xc: {  	s11 =	sor.u32 $0x180, s6;
	s7 =	sadd.s32 s2, s10;
	s9 =	sadd.s32 s4, s10  }
0xd: {  	s10 =	sor.u32 $0x100, s6;
	s12 =	smax.u32 s12, $0x1;
	s8 =	sadd.s32 $0x800, s7  }
.LBB2_8:
0xe: {  	s22 =	sadd.s32 $0x1, s22  }
0xf: {  	_ =	swait.ge [sflag:s20], $0x4000;
	p0 =	sne.s32 s22, s12  }
.Ltmp1:
0x10: {  	[sflag:s20] =	ssyncset.done $0x0;
	(pc) =	sbr.rel @!p0 .LBB2_9-.Ltmp1, $4  }
0x11: {  	[sflag:s20] =	ssyncadd.s32 $0xFFFFC000  }
0x12: {  	_ =	swait.ge [sflag:s21], $0x4000  }
0x13: {  	[sflag:s21] =	ssyncset.done $0x0  }
0x14: {  	[sflag:s21] =	ssyncadd.s32 $0xFFFFC000  }
.LBB2_1:
0x15: {  	[tilespmem:s5], [sflag:$0x5] =	stream.linear.gather [hbm4b:s3+s5], $0x100, $0x38;
	[tilespmem:$0x10100] =	vst v63  }
0x16: {  	_ =	swait.ge [sflag:s13], $0x100  }
0x17: {  	[sflag:s13] =	ssyncset.done $0x0  }
0x18: {  	[sflag:s13] =	ssyncadd.s32 $0xFFFFFF00  }
0x19: {  	[tilespmem:s14], [sflag:$0x1] =	stream.linear.gather [hbm4b:s7+s5], $0x4000, $0x38;
	[tilespmem:$0x10100] =	vst v63  }
0x1a: {  	s23 =	simm.s32 $0x0  }
0x1b: {  	[tilespmem:s15], [sflag:$0x2] =	stream.linear.gather [hbm4b:s8+s5], $0x4000, $0x38;
	[tilespmem:$0x10100] =	vst v63  }
.LBB2_2:
0x1c: {  	_ =	swait.ge [sflag:s16], $0x4000  }
0x1d: {  	p0 =	seq.s32 s23, $0x0;
	[sflag:s16] =	ssyncset.done $0x0  }
0x1e: {  	s24 =	simm.s32 @!p0 $0x3;
	[sflag:s16] =	ssyncadd.s32 $0xFFFFC000  }
0x1f: {  	_ =	swait.ge @!p0 [sflag:s24], $0x4000  }
0x20: {  	[sflag:s24] =	ssyncset.done @!p0 $0x0  }
0x21: {  	s25 =	simm.s32 $0x0;
	[sflag:s24] =	ssyncadd.s32 @!p0 $0xFFFFC000  }
0x22: {  	v3 =	vld [tilespmem:s25+$0x170]  }
0x23: {  	v4 =	vld [tilespmem:s25+$0x100]  }
0x24: {  	v5 =	vld [tilespmem:s25+$0x110]  }
0x25: {  	v2 =	vld [tilespmem:s25+$0x120]  }
0x26: {  	v0 =	vld [tilespmem:s25+$0x130]  }
0x27: {  	v1 =	vld [tilespmem:s25+$0x140];
	[tilespmem:s25+$0x8170] =	vst v3  }
0x28: {  	[tilespmem:s25+$0x8100] =	vst v4;
	v3 =	vld [tilespmem:s25+$0x150]  }
0x29: {  	s26 =	simm.s32 $0x80;
	s28 =	simm.s32 $0x400;
	s24 =	sshll.u32 s23, $0x8;
	[tilespmem:s25+$0x8110] =	vst v5;
	v4 =	vld [tilespmem:s25+$0x160]  }
.LBB2_3:
0x2a: {  	p1 =	sne.s32 s28, $0xFE00;
	v5 =	vld [tilespmem:s26+$0x170];
	[tilespmem:s25+$0x8120] =	vst v2  }
0x2b: {  	v6 =	vld [tilespmem:s26+$0x100];
	[tilespmem:s25+$0x8130] =	vst v0  }
0x2c: {  	v7 =	vld [tilespmem:s26+$0x110];
	[tilespmem:s25+$0x8140] =	vst v1  }
.Ltmp2:
0x2d: {  	v2 =	vld [tilespmem:s26+$0x120];
	[tilespmem:s25+$0x8150] =	vst v3;
	(pc) =	sbr.rel @p1 .LBB2_3-.Ltmp2, $4  }
0x2e: {  	v0 =	vld [tilespmem:s26+$0x130];
	[tilespmem:s25+$0x8160] =	vst v4;
	s25 =	smov.u32 s26  }
0x2f: {  	v1 =	vld [tilespmem:s25+$0x140];
	[tilespmem:s25+$0x8170] =	vst v5  }
0x30: {  	[tilespmem:s25+$0x8100] =	vst v6;
	v3 =	vld [tilespmem:s25+$0x150]  }
0x31: {  	s26 =	sshra.s32 s28, $0x2;
	s28 =	sadd.s32 $0x200, s28;
	[tilespmem:s25+$0x8110] =	vst v7;
	v4 =	vld [tilespmem:s25+$0x160]  }
0x32: {  	v5 =	vld [tilespmem:s26+$0x170];
	[tilespmem:s25+$0x8120] =	vst v2  }
0x33: {  	v2 =	vld [tilespmem:s26+$0x100];
	[tilespmem:s25+$0x8130] =	vst v0  }
0x34: {  	v0 =	vld [tilespmem:s26+$0x110];
	[tilespmem:s25+$0x8140] =	vst v1  }
0x35: {  	v1 =	vld [tilespmem:s26+$0x120];
	[tilespmem:s25+$0x8150] =	vst v3  }
0x36: {  	v3 =	vld [tilespmem:s26+$0x130];
	[tilespmem:s25+$0x8160] =	vst v4  }
0x37: {  	v4 =	vld [tilespmem:s26+$0x140];
	[tilespmem:s26+$0x8170] =	vst v5  }
0x38: {  	[tilespmem:s26+$0x8100] =	vst v2;
	v2 =	vld [tilespmem:s26+$0x150]  }
0x39: {  	[tilespmem:s26+$0x8110] =	vst v0;
	v0 =	vld [tilespmem:s26+$0x160]  }
0x3a: {  	[tilespmem:s26+$0x8120] =	vst v1  }
0x3b: {  	[tilespmem:s26+$0x8130] =	vst v3  }
0x3c: {  	[tilespmem:s26+$0x8140] =	vst v4  }
0x3d: {  	s30 =	sshll.u32 s23, $0xC;
	[tilespmem:s26+$0x8150] =	vst v2  }
0x3e: {  	p1 =	seq.s32 s23, $0xF;
	s25 =	sadd.s32 s30, s9;
	[tilespmem:s26+$0x8160] =	vst v0  }
0x3f: {  	[hbm4b:s25+s5] =	stream.linear.scatter [tilespmem:s17], [sflag:$0x3], $0x4000, $0x38;
	[tilespmem:$0x10100] =	vst v63  }
0x40: {  	s25 =	sadd.s32 @!p1 s24, s10  }
0x41: {  	s25 =	sshll.u32 @!p1 s25, $0x4  }
0x42: {  	s28 =	simm.s32 @!p1 $0x100;
	s26 =	simm.s32 @!p1 $0x0;
	s25 =	sadd.s32 @!p1 s2, s25  }
0x43: {  	[tilespmem:s28], [sflag:$0x1] =	stream.linear.gather @!p1 [hbm4b:s25+s26], $0x4000, $0x38;
	[tilespmem:$0x10100] =	vst v63  }
0x44: {  	_ =	swait.ge [sflag:s18], $0x4000  }
0x45: {  	[sflag:s18] =	ssyncset.done $0x0  }
0x46: {  	s25 =	simm.s32 @!p0 $0x4;
	[sflag:s18] =	ssyncadd.s32 $0xFFFFC000  }
0x47: {  	_ =	swait.ge @!p0 [sflag:s25], $0x4000  }
0x48: {  	[sflag:s25] =	ssyncset.done @!p0 $0x0  }
0x49: {  	[sflag:s25] =	ssyncadd.s32 @!p0 $0xFFFFC000;
	s25 =	simm.s32 $0x0  }
0x4a: {  	v3 =	vld [tilespmem:s25+$0x4170]  }
0x4b: {  	v4 =	vld [tilespmem:s25+$0x4100]  }
0x4c: {  	v5 =	vld [tilespmem:s25+$0x4110]  }
0x4d: {  	v2 =	vld [tilespmem:s25+$0x4120]  }
0x4e: {  	v0 =	vld [tilespmem:s25+$0x4130]  }
0x4f: {  	v1 =	vld [tilespmem:s25+$0x4140];
	[tilespmem:s25+$0xC170] =	vst v3  }
0x50: {  	s31 =	sadd.s32 s24, s6;
	[tilespmem:s25+$0xC100] =	vst v4;
	v3 =	vld [tilespmem:s25+$0x4150]  }
0x51: {  	s29 =	simm.s32 $0x400;
	s26 =	sadd.s32 $0x80, s31;
	s28 =	simm.s32 $0x80;
	[tilespmem:s25+$0xC110] =	vst v5;
	v4 =	vld [tilespmem:s25+$0x4160]  }
.LBB2_5:
0x52: {  	p0 =	sne.s32 s29, $0xFE00;
	v5 =	vld [tilespmem:s28+$0x4170];
	[tilespmem:s25+$0xC120] =	vst v2  }
0x53: {  	v6 =	vld [tilespmem:s28+$0x4100];
	[tilespmem:s25+$0xC130] =	vst v0  }
0x54: {  	v7 =	vld [tilespmem:s28+$0x4110];
	[tilespmem:s25+$0xC140] =	vst v1  }
.Ltmp3:
0x55: {  	v2 =	vld [tilespmem:s28+$0x4120];
	[tilespmem:s25+$0xC150] =	vst v3;
	(pc) =	sbr.rel @p0 .LBB2_5-.Ltmp3, $4  }
0x56: {  	v0 =	vld [tilespmem:s28+$0x4130];
	[tilespmem:s25+$0xC160] =	vst v4;
	s25 =	smov.u32 s28  }
0x57: {  	v1 =	vld [tilespmem:s25+$0x4140];
	[tilespmem:s25+$0xC170] =	vst v5  }
0x58: {  	[tilespmem:s25+$0xC100] =	vst v6;
	v3 =	vld [tilespmem:s25+$0x4150]  }
0x59: {  	s28 =	sshra.s32 s29, $0x2;
	s29 =	sadd.s32 $0x200, s29;
	[tilespmem:s25+$0xC110] =	vst v7;
	v4 =	vld [tilespmem:s25+$0x4160]  }
0x5a: {  	v5 =	vld [tilespmem:s28+$0x4170];
	[tilespmem:s25+$0xC120] =	vst v2  }
0x5b: {  	v2 =	vld [tilespmem:s28+$0x4100];
	[tilespmem:s25+$0xC130] =	vst v0  }
0x5c: {  	v0 =	vld [tilespmem:s28+$0x4110];
	[tilespmem:s25+$0xC140] =	vst v1  }
0x5d: {  	v1 =	vld [tilespmem:s28+$0x4120];
	[tilespmem:s25+$0xC150] =	vst v3  }
0x5e: {  	v3 =	vld [tilespmem:s28+$0x4130];
	[tilespmem:s25+$0xC160] =	vst v4  }
0x5f: {  	v4 =	vld [tilespmem:s28+$0x4140];
	[tilespmem:s28+$0xC170] =	vst v5  }
0x60: {  	v62 =	vld [tilespmem:s28+$0x4150];
	[tilespmem:s28+$0xC100] =	vst v2  }
0x61: {  	v63 =	vld [tilespmem:s28+$0x4160];
	[tilespmem:s28+$0xC110] =	vst v0  }
0x62: {  	[tilespmem:s28+$0xC120] =	vst v1  }
.Ltmp4:
0x63: {  	[tilespmem:s28+$0xC130] =	vst v3;
	(pc) =	sbr.rel @p1 .LBB2_8-.Ltmp4, $4  }
0x64: {  	[tilespmem:s28+$0xC140] =	vst v4  }
0x65: {  	s31 =	sshll.u32 s26, $0x4;
	[tilespmem:s28+$0xC150] =	vst v62  }
0x66: {  	s25 =	sadd.s32 s4, s31;
	[tilespmem:s28+$0xC160] =	vst v63  }
0x67: {  	[hbm4b:s25+s5] =	stream.linear.scatter [tilespmem:s19], [sflag:$0x4], $0x4000, $0x38;
	[tilespmem:$0x10100] =	vst v63  }
.Ltmp5:
0x68: {  	(pc) =	sbr.rel .LBB2_2-.Ltmp5, $4  }
0x69: {  	s24 =	sadd.s32 s24, s11  }
0x6a: {  	s24 =	sshll.u32 s24, $0x4  }
0x6b: {  	s23 =	sadd.s32 $0x1, s23;
	s24 =	sadd.s32 s2, s24  }
0x6c: {  	[tilespmem:s15], [sflag:$0x2] =	stream.linear.gather [hbm4b:s24+s5], $0x4000, $0x38;
	[tilespmem:$0x10100] =	vst v63  }
.LBB2_9:
0x6d: {  	_ =	sfence.sel $0x180000  }
0x6e: {  	[bflag:$0x0] =	sbarrier.arrive $0xFFFF  }
0x6f: {  	p0 =	sne.s32 s1, $0x0;
	_ =	strace $0x90000047  }
0x70: {  	s0 =	sadd.s32 @!p0 $0x100000, s0;
	[bflag:$0x2] =	sbarrier.arrive $0xFFFF  }
0x71: {  	[sflag:s0] =	ssyncadd.tile.s32 @!p0 $0x1;
	_ =	shalt  }
.Lfunc_end2:
_tile_overlayer_lowered:
.L_overlay_start_2:
0x72: {  	(tag) =	ssettag $0x2  }
0x73: {  	s0 =	rddreg [dreg:$0x0];
	s2 =	stileid.u32  }
0x74: {  	s1 =	rddreg [dreg:$0x1];
	p0 =	sne.s32 s2, $0x0  }
0x75: {  	s3 =	rddreg [dreg:$0x2];
	[bflag:$0x3] =	sbarrier.arrive $0xFFFF;
	s2 =	simm.s32 @!p0 $0x1C05  }
0x76: {  	[timem:s3], [sflag:s2] =	dma.local @!p0 [hbm:s0], s1  }
0x77: {  	s0 =	simm.s32 @!p0 $0x5  }
0x78: {  	_ =	swait.ge @!p0 [sflag:s0], s1  }
0x79: {  	s1 =	ssub.s32 @!p0 $0x0, s1;
	[sflag:s0] =	ssyncset.done @!p0 $0x0  }
0x7a: {  	[sflag:s0] =	ssyncadd.s32 @!p0 s1  }
0x7b: {  	[bflag:$0x3] =	sbarrier.arrive $0xFFFF  }
0x7c: {  	_ =	shalt  }

</sc_bundles>
